<compile_context>
chip_gen: v7x
topology: tpu7x:2x2x1
jax: 0.10.2.dev20260603
libtpu: 0.0.44.dev20260713+nightly
codegen_flags: <defaults>
</compile_context>

<pallas_src>
import functools

import jax
import jax.numpy as jnp
from jax import lax
from jax.experimental import pallas as pl
from jax.experimental.pallas import tpu as pltpu
from jax.experimental.pallas import tpu_sc as plsc

N = 10000
E = 160000
B = 64
DF = 128
DE = 16
H = 16
EPS = 1e-5

NC, NS = 2, 16
NW = NC * NS
CH = 128
EPW = 5120
E_PAD = NW * EPW
NCHUNK = EPW // CH
NROW_T = 626
N_PAD = NS * NROW_T

_f32 = jnp.float32
_HI = lax.Precision.HIGHEST
_i32 = jnp.int32



def _sc_gather_body(h_hbm, src_hbm, out_hbm, idx_v, rows_v, sem):
    w = lax.axis_index("c") * NS + lax.axis_index("s")
    pltpu.sync_copy(src_hbm.at[pl.ds(w * NCHUNK, NCHUNK)], idx_v)

    def chunk(j, carry):
        pltpu.async_copy(
            h_hbm.at[idx_v.at[j]], rows_v.at[pl.ds(j * CH, CH)], sem
        ).wait()
        return carry

    lax.fori_loop(0, NCHUNK, chunk, 0, unroll=8)
    pltpu.sync_copy(rows_v, out_hbm.at[pl.ds(w * EPW, EPW)])


@functools.partial(jax.jit, static_argnames=())
def _sc_gather(h, src2):
    f = pl.kernel(
        _sc_gather_body,
        out_type=jax.ShapeDtypeStruct((E_PAD, H), _f32),
        mesh=plsc.VectorSubcoreMesh(core_axis_name="c", subcore_axis_name="s"),
        scratch_types=[
            pltpu.VMEM((NCHUNK, CH), _i32),
            pltpu.VMEM((EPW, H), _f32),
            pltpu.SemaphoreType.DMA,
        ],
        compiler_params=pltpu.CompilerParams(use_tc_tiling_on_sc=False),
    )
    return f(h, src2)


def _sc_scatter_body(msg_hbm, dst_hbm, zero_hbm, out_hbm, idx_v, msg_v, acc_sh):
    c = lax.axis_index("c")
    s = lax.axis_index("s")
    w = c * NS + s
    pltpu.sync_copy(zero_hbm, acc_sh.at[pl.ds(s * NROW_T, NROW_T)])
    pltpu.sync_copy(msg_hbm.at[pl.ds(w * EPW, EPW)], msg_v)
    pltpu.sync_copy(dst_hbm.at[pl.ds(w * NCHUNK, NCHUNK)], idx_v)
    plsc.subcore_barrier()

    def chunk(j, carry):
        pltpu.sync_copy(
            msg_v.at[pl.ds(j * CH, CH)], acc_sh.at[idx_v.at[j]], add=True
        )
        return carry

    lax.fori_loop(0, NCHUNK, chunk, 0, unroll=8)
    plsc.subcore_barrier()
    pltpu.sync_copy(
        acc_sh.at[pl.ds(s * NROW_T, NROW_T)],
        out_hbm.at[c, pl.ds(s * NROW_T, NROW_T)],
    )


def _sc_scatter(msg, dst2, zero_blk):
    f = pl.kernel(
        _sc_scatter_body,
        out_type=jax.ShapeDtypeStruct((NC, N_PAD, H), _f32),
        mesh=plsc.VectorSubcoreMesh(core_axis_name="c", subcore_axis_name="s"),
        scratch_types=[
            pltpu.VMEM((NCHUNK, CH), _i32),
            pltpu.VMEM((EPW, H), _f32),
            pltpu.VMEM_SHARED((N_PAD, H), _f32),
        ],
        compiler_params=pltpu.CompilerParams(use_tc_tiling_on_sc=False),
    )
    return f(msg, dst2, zero_blk)



def _bn_rows(y, g, b):
    m = jnp.mean(y, axis=0, keepdims=True)
    v = jnp.mean((y - m) * (y - m), axis=0, keepdims=True)
    return (y - m) * lax.rsqrt(v + EPS) * g + b


def _embed_h_body(x_ref, w_ref, b_ref, g_ref, be_ref, o_ref):
    y = jnp.dot(x_ref[...], w_ref[...], preferred_element_type=_f32, precision=_HI) + b_ref[...]
    o_ref[...] = _bn_rows(y, g_ref[...], be_ref[...])


def _embed_y_body(ea_ref, w_ref, b_ref, y_ref, st_ref, acc_ref):
    i = pl.program_id(0)
    y = jnp.dot(ea_ref[...], w_ref[...], preferred_element_type=_f32, precision=_HI) + b_ref[...]
    y_ref[...] = y
    s1 = jnp.sum(y, axis=0, keepdims=True)
    s2 = jnp.sum(y * y, axis=0, keepdims=True)
    blk = jnp.concatenate([s1, s2], axis=0)

    @pl.when(i == 0)
    def _():
        acc_ref[...] = blk

    @pl.when(i > 0)
    def _():
        acc_ref[...] = acc_ref[...] + blk

    @pl.when(i == pl.num_programs(0) - 1)
    def _():
        st_ref[...] = acc_ref[...]


def _msg_body(y_ref, hs_ref, wa_ref, c_ref, o_ref):
    w = jnp.dot(y_ref[...], wa_ref[...], preferred_element_type=_f32,
                precision=_HI) + c_ref[...]
    hb = hs_ref[...]
    msg = hb[:, 0:1] * w[:, 0:H]
    for i in range(1, H):
        msg = msg + hb[:, i : i + 1] * w[:, i * H : (i + 1) * H]
    o_ref[...] = msg


def _update_body(h_ref, agg_ref, wr_ref, bc_ref, g_ref, be_ref, o_ref):
    a = agg_ref[0, : N, :] + agg_ref[1, : N, :]
    y = jnp.dot(h_ref[...], wr_ref[...], preferred_element_type=_f32, precision=_HI)
    y = jnp.maximum(y + a + bc_ref[...], 0.0)
    o_ref[...] = _bn_rows(y, g_ref[...], be_ref[...])


def _pool_mlp_body(h_ref, b_ref, ones_ref, wp0, bp0, gp0, bep0,
                   wp1, bp1, gp1, bep1, wp2, bp2, gp2, bep2, wp3, bp3,
                   o_ref, mx_ref):
    h = h_ref[...]
    bb = b_ref[...]
    seg = lax.broadcasted_iota(_i32, (N, B), 1)
    oh = (bb == seg).astype(_f32)
    dn = (((0,), (0,)), ((), ()))
    sums = lax.dot_general(oh, h, dn, preferred_element_type=_f32, precision=_HI)
    cnt = lax.dot_general(oh, ones_ref[...], dn, preferred_element_type=_f32, precision=_HI)
    mean = sums / jnp.maximum(cnt, 1.0)
    neg = jnp.float32(-jnp.inf)

    def seg_max(b, carry):
        masked = jnp.where(bb == b, h, neg)
        mx_ref[pl.ds(b, 1), :] = jnp.max(masked, axis=0, keepdims=True)
        return carry

    lax.fori_loop(0, B, seg_max, 0)
    mx = mx_ref[...]
    mx = jnp.where(jnp.isfinite(mx), mx, 0.0)
    z = jnp.concatenate([mean, mx], axis=1)
    for wp, bp, gp, bep in ((wp0, bp0, gp0, bep0), (wp1, bp1, gp1, bep1),
                            (wp2, bp2, gp2, bep2)):
        z = jnp.maximum(jnp.dot(z, wp[...], preferred_element_type=_f32, precision=_HI)
                        + bp[...], 0.0)
        z = _bn_rows(z, gp[...], bep[...])
    o_ref[...] = jnp.dot(z, wp3[...], preferred_element_type=_f32, precision=_HI) + bp3[...]



_EBLK = 2048
_YBLK = 8000


def kernel(x, edge_index, edge_attrs, batch, params):
    p = params
    src = edge_index[0].astype(_i32)
    dst = edge_index[1].astype(_i32)
    src2 = jnp.concatenate([src, jnp.zeros((E_PAD - E,), _i32)]).reshape(-1, CH)
    dst2 = jnp.concatenate([dst, jnp.full((E_PAD - E,), N, _i32)]).reshape(-1, CH)
    batch_c = batch.astype(_i32).reshape(N, 1)

    row16 = lambda a: a.reshape(1, -1).astype(_f32)

    h = pl.pallas_call(
        _embed_h_body,
        out_shape=jax.ShapeDtypeStruct((N, H), _f32),
    )(x, p["Wne"], row16(p["bne"]), row16(p["gne"]), row16(p["bene"]))

    n_yblk = E // _YBLK
    y, stats = pl.pallas_call(
        _embed_y_body,
        grid=(n_yblk,),
        in_specs=[
            pl.BlockSpec((_YBLK, DE), lambda i: (i, 0)),
            pl.BlockSpec((DE, H), lambda i: (0, 0)),
            pl.BlockSpec((1, H), lambda i: (0, 0)),
        ],
        out_specs=[
            pl.BlockSpec((_YBLK, H), lambda i: (i, 0)),
            pl.BlockSpec((2, H), lambda i: (0, 0)),
        ],
        out_shape=[
            jax.ShapeDtypeStruct((E, H), _f32),
            jax.ShapeDtypeStruct((2, H), _f32),
        ],
        scratch_shapes=[pltpu.VMEM((2, H), _f32)],
    )(edge_attrs, p["Wee"], row16(p["bee"]))

    m = stats[0] / E
    v = stats[1] / E - m * m
    alpha = p["gee"] * lax.rsqrt(v + EPS)
    beta = p["beee"] - m * alpha

    y_pad = jnp.concatenate([y, jnp.zeros((E_PAD - E, H), _f32)], axis=0)
    zero_blk = jnp.zeros((NROW_T, H), _f32)

    n_eblk = E_PAD // _EBLK
    msg_call = pl.pallas_call(
        _msg_body,
        grid=(n_eblk,),
        in_specs=[
            pl.BlockSpec((_EBLK, H), lambda i: (i, 0)),
            pl.BlockSpec((_EBLK, H), lambda i: (i, 0)),
            pl.BlockSpec((H, H * H), lambda i: (0, 0)),
            pl.BlockSpec((1, H * H), lambda i: (0, 0)),
        ],
        out_specs=pl.BlockSpec((_EBLK, H), lambda i: (i, 0)),
        out_shape=jax.ShapeDtypeStruct((E_PAD, H), _f32),
    )

    update_call = pl.pallas_call(
        _update_body,
        out_shape=jax.ShapeDtypeStruct((N, H), _f32),
    )

    for i in range(5):
        wnn = p["Wnn%d" % i]
        wnn_a = alpha[:, None] * wnn
        c_row = (beta @ wnn + p["bnn%d" % i]).reshape(1, H * H)
        hs = _sc_gather(h, src2)
        msg = msg_call(y_pad, hs, wnn_a, c_row)
        aggp = _sc_scatter(msg, dst2, zero_blk)
        h = update_call(h, aggp, p["Wroot%d" % i], row16(p["bc%d" % i]),
                        row16(p["g%d" % i]), row16(p["be%d" % i]))

    ones_col = jnp.ones((N, 1), _f32)
    out = pl.pallas_call(
        _pool_mlp_body,
        out_shape=jax.ShapeDtypeStruct((B, 1), _f32),
        scratch_shapes=[pltpu.VMEM((B, H), _f32)],
    )(h, batch_c, ones_col,
      p["Wp0"], row16(p["bp0"]), row16(p["gp0"]), row16(p["bep0"]),
      p["Wp1"], row16(p["bp1"]), row16(p["gp1"]), row16(p["bep1"]),
      p["Wp2"], row16(p["bp2"]), row16(p["gp2"]), row16(p["bep2"]),
      p["Wp3"], row16(p["bp3"]))
    return out

# --- scband reference (transcript-rebuilt; emitter-appended) ---
"""Pipeline reference for scband-basemodel-63471026700632 (READ-ONLY COPY).

The authoritative reference and input builder live on the scoring server;
editing this copy changes nothing except your own understanding.
"""

import jax, jax.numpy as jnp
import numpy as np

N = 10000
E = 160000
B = 64
DF = 128
DE = 16
H = 16


def _bn(x, g, b, eps=1e-5):
    m = jnp.mean(x, axis=0)
    v = jnp.var(x, axis=0)
    return (x - m) / jnp.sqrt(v + eps) * g + b


def setup_inputs(seed: int = 0) -> dict:
    key = jax.random.key(seed)
    ks = jax.random.split(key, 64)
    x = jax.random.normal(ks[0], (N, DF), dtype=jnp.float32)
    edge_index = jax.random.randint(ks[1], (2, E), 0, N)
    edge_attrs = jax.random.normal(ks[2], (E, DE), dtype=jnp.float32)
    batch = jnp.sort(jax.random.randint(ks[3], (N,), 0, B))
    p = {}
    p['Wne'] = jax.random.normal(ks[4], (DF, H), dtype=jnp.float32) * 0.1
    p['bne'] = jnp.zeros((H,), jnp.float32)
    p['gne'] = jnp.ones((H,), jnp.float32)
    p['bene'] = jnp.zeros((H,), jnp.float32)
    p['Wee'] = jax.random.normal(ks[5], (DE, H), dtype=jnp.float32) * 0.1
    p['bee'] = jnp.zeros((H,), jnp.float32)
    p['gee'] = jnp.ones((H,), jnp.float32)
    p['beee'] = jnp.zeros((H,), jnp.float32)
    for i in range(5):
        p['Wnn%d' % i] = jax.random.normal(ks[6 + 2 * i], (H, H * H), dtype=jnp.float32) * 0.05
        p['bnn%d' % i] = jnp.zeros((H * H,), jnp.float32)
        p['Wroot%d' % i] = jax.random.normal(ks[7 + 2 * i], (H, H), dtype=jnp.float32) * 0.1
        p['bc%d' % i] = jnp.zeros((H,), jnp.float32)
        p['g%d' % i] = jnp.ones((H,), jnp.float32)
        p['be%d' % i] = jnp.zeros((H,), jnp.float32)
    dims = [(2 * H, 4 * H), (4 * H, 3 * H), (3 * H, 2 * H), (2 * H, 1)]
    for j, (a, b) in enumerate(dims):
        p['Wp%d' % j] = jax.random.normal(ks[20 + j], (a, b), dtype=jnp.float32) * 0.1
        p['bp%d' % j] = jnp.zeros((b,), jnp.float32)
        if j < 3:
            p['gp%d' % j] = jnp.ones((b,), jnp.float32)
            p['bep%d' % j] = jnp.zeros((b,), jnp.float32)
    return {'x': x, 'edge_index': edge_index, 'edge_attrs': edge_attrs, 'batch': batch, 'params': p}


def _forward(x, edge_attrs, params, src, dst, batch):
    # node / edge embeddings: Linear + BatchNorm1d (training-mode batch stats)
    h = _bn(x @ params['Wne'] + params['bne'], params['gne'], params['bene'])
    e = _bn(edge_attrs @ params['Wee'] + params['bee'], params['gee'], params['beee'])
    # 5 x (NNConv -> ReLU -> BatchNorm)
    for i in range(5):
        w = (e @ params['Wnn%d' % i] + params['bnn%d' % i]).reshape(-1, H, H)  # [E, in, out]
        msg = jnp.einsum('ei,eio->eo', h[src], w)                              # gather + per-edge matmul
        agg = jax.ops.segment_sum(msg, dst, num_segments=h.shape[0])          # scatter-add (aggr='add')
        h = h @ params['Wroot%d' % i] + agg + params['bc%d' % i]               # root weight + bias
        h = jax.nn.relu(h)
        h = _bn(h, params['g%d' % i], params['be%d' % i])
    # global mean / max pooling per graph
    ones = jnp.ones((h.shape[0],), h.dtype)
    cnt = jax.ops.segment_sum(ones, batch, num_segments=B)
    mean = jax.ops.segment_sum(h, batch, num_segments=B) / jnp.maximum(cnt, 1.0)[:, None]
    mx = jax.ops.segment_max(h, batch, num_segments=B)
    mx = jnp.where(jnp.isfinite(mx), mx, 0.0)
    g = jnp.concatenate([mean, mx], axis=1)
    # predictor MLP: (Linear, ReLU, BN) x 3 + Linear
    z = g
    for j in range(3):
        z = jax.nn.relu(z @ params['Wp%d' % j] + params['bp%d' % j])
        z = _bn(z, params['gp%d' % j], params['bep%d' % j])
    return z @ params['Wp3'] + params['bp3']


def reference(x, edge_index, edge_attrs, batch, params):
    src = edge_index[0]
    dst = edge_index[1]
    return _forward(x, edge_attrs, params, src, dst, batch)

if __name__ == "__main__":
    import jax
    _d = setup_inputs()
    print(jax.jit(kernel)(*tuple(_d.values())))

</pallas_src>

<mosaic_0001>
#map = affine_map<(d0, d1) -> (0, 0)>
module attributes {stable_mosaic.version = 14 : i64} {
  func.func @_sc_gather_body(%arg0: i32, %arg1: i32, %arg2: memref<10000x16xf32, #tpu.memory_space<hbm>>, %arg3: memref<1280x128xi32, #tpu.memory_space<hbm>>, %arg4: memref<163840x16xf32, #tpu.memory_space<hbm>>, %arg5: memref<40x128xi32, #tpu.memory_space<vmem>>, %arg6: memref<5120x16xf32, #tpu.memory_space<vmem>>, %arg7: memref<!tpu.dma_semaphore, #tpu.memory_space<semaphore_mem>>) attributes {dimension_semantics = [#tpu.dimension_semantics<core_parallel>, #tpu.dimension_semantics<subcore_parallel>], iteration_bounds = array<i64: 2, 16>, scalar_prefetch = 0 : i64, scratch_operands = 3 : i64, tpu.core_type = #tpu.core_type<sc_vector_subcore>, window_params = [{transform_indices = #map}, {transform_indices = #map}, {transform_indices = #map}]} {
    %mul3A = arith.constant 16 : i32
    %mul3A_0 = arith.muli %arg0, %mul3A : i32
    %add3A = arith.addi %mul3A_0, %arg1 : i32
    %mul3A_1 = arith.constant 40 : i32
    %mul3A_2 = arith.muli %add3A, %mul3A_1 : i32
    "tpu.region"() ({
      %run_scoped3A = tpu.sem_alloc : memref<!tpu.dma_semaphore, #tpu.memory_space<semaphore_mem>>
      %dma_start3A = arith.constant 0 : i32
      %dma_start3A_10 = tpu.memref_slice %arg3[%mul3A_2, %dma_start3A] : memref<1280x128xi32, #tpu.memory_space<hbm>> -> memref<40x128xi32, #tpu.memory_space<hbm>>
      %dma_start3A_11 = arith.constant 0 : i32
      %dma_start3A_12 = tpu.memref_slice %arg3[%mul3A_2, %dma_start3A_11] : memref<1280x128xi32, #tpu.memory_space<hbm>> -> memref<40x128xi32, #tpu.memory_space<hbm>>
      tpu.enqueue_dma source(%dma_start3A_12 : memref<40x128xi32, #tpu.memory_space<hbm>>) target(%arg5 : memref<40x128xi32, #tpu.memory_space<vmem>>) target_semaphore(%run_scoped3A : memref<!tpu.dma_semaphore, #tpu.memory_space<semaphore_mem>>)
      %dma_wait3A = arith.constant 0 : i32
      %dma_wait3A_13 = tpu.memref_slice %arg3[%mul3A_2, %dma_wait3A] : memref<1280x128xi32, #tpu.memory_space<hbm>> -> memref<40x128xi32, #tpu.memory_space<hbm>>
      %dma_wait3A_14 = arith.constant 0 : i32
      %dma_wait3A_15 = tpu.memref_slice %arg3[%mul3A_2, %dma_wait3A_14] : memref<1280x128xi32, #tpu.memory_space<hbm>> -> memref<40x128xi32, #tpu.memory_space<hbm>>
      tpu.wait_dma2 semaphore(%run_scoped3A : memref<!tpu.dma_semaphore, #tpu.memory_space<semaphore_mem>>) src(%dma_wait3A_15 : memref<40x128xi32, #tpu.memory_space<hbm>>) dst(%arg5 : memref<40x128xi32, #tpu.memory_space<vmem>>)
      tpu.yield
    }) : () -> ()
    %scan3A = arith.constant 0 : i32
    %scan3A_3 = arith.constant 0 : i32
    %scan3A_4 = arith.constant 40 : i32
    %scan3A_5 = arith.addi %scan3A_3, %scan3A_4 : i32
    %scan3A_6 = arith.constant 8 : i32
    scf.for %scan3A_10 = %scan3A_3 to %scan3A_5 step %scan3A_6  : i32 {
      %mul3A_11 = arith.constant 128 : i32
      %mul3A_12 = arith.muli %scan3A_10, %mul3A_11 : i32
      %dma_start3A = arith.constant 0 : i32
      %dma_start3A_13 = tpu.memref_slice %arg6[%mul3A_12, %dma_start3A] : memref<5120x16xf32, #tpu.memory_space<vmem>> -> memref<128x16xf32, #tpu.memory_space<vmem>>
      %dma_start3A_14 = arith.constant 0 : i32
      %dma_start3A_15 = tpu.memref_slice %arg5[%scan3A_10, %dma_start3A_14] : memref<40x128xi32, #tpu.memory_space<vmem>> -> memref<1x128xi32, #tpu.memory_space<vmem>>
      %dma_start3A_16 = tpu.memref_squeeze %dma_start3A_15 : memref<1x128xi32, #tpu.memory_space<vmem>> -> memref<128xi32, #tpu.memory_space<vmem>>
      %dma_start3A_17 = arith.constant 0 : i32
      %dma_start3A_18 = arith.constant 0 : i32
      %dma_start3A_19 = tpu.memref_slice %arg2[%dma_start3A_17, %dma_start3A_18] : memref<10000x16xf32, #tpu.memory_space<hbm>> -> memref<10000x16xf32, #tpu.memory_space<hbm>>
      tpu.enqueue_indirect_dma source(%dma_start3A_19 : memref<10000x16xf32, #tpu.memory_space<hbm>>) target(%dma_start3A_13 : memref<128x16xf32, #tpu.memory_space<vmem>>) offsets(%dma_start3A_16 : memref<128xi32, #tpu.memory_space<vmem>>) semaphore(%arg7 : memref<!tpu.dma_semaphore, #tpu.memory_space<semaphore_mem>>)
      %dma_wait3A = arith.constant 0 : i32
      %dma_wait3A_20 = tpu.memref_slice %arg6[%mul3A_12, %dma_wait3A] : memref<5120x16xf32, #tpu.memory_space<vmem>> -> memref<128x16xf32, #tpu.memory_space<vmem>>
      %dma_wait3A_21 = arith.constant 0 : i32
      %dma_wait3A_22 = tpu.memref_slice %arg5[%scan3A_10, %dma_wait3A_21] : memref<40x128xi32, #tpu.memory_space<vmem>> -> memref<1x128xi32, #tpu.memory_space<vmem>>
      %dma_wait3A_23 = tpu.memref_squeeze %dma_wait3A_22 : memref<1x128xi32, #tpu.memory_space<vmem>> -> memref<128xi32, #tpu.memory_space<vmem>>
      %dma_wait3A_24 = arith.constant 0 : i32
      %dma_wait3A_25 = arith.constant 0 : i32
      %dma_wait3A_26 = tpu.memref_slice %arg2[%dma_wait3A_24, %dma_wait3A_25] : memref<10000x16xf32, #tpu.memory_space<hbm>> -> memref<10000x16xf32, #tpu.memory_space<hbm>>
      tpu.wait_indirect_dma semaphore(%arg7 : memref<!tpu.dma_semaphore, #tpu.memory_space<semaphore_mem>>) src(%dma_wait3A_26 : memref<10000x16xf32, #tpu.memory_space<hbm>>) dst(%dma_wait3A_20 : memref<128x16xf32, #tpu.memory_space<vmem>>)
      %scan3A_27 = arith.constant 1 : i32
      %scan3A_28 = arith.addi %scan3A_10, %scan3A_27 : i32
      %mul3A_29 = arith.constant 128 : i32
      %mul3A_30 = arith.muli %scan3A_28, %mul3A_29 : i32
      %dma_start3A_31 = arith.constant 0 : i32
      %dma_start3A_32 = tpu.memref_slice %arg6[%mul3A_30, %dma_start3A_31] : memref<5120x16xf32, #tpu.memory_space<vmem>> -> memref<128x16xf32, #tpu.memory_space<vmem>>
      %dma_start3A_33 = arith.constant 0 : i32
      %dma_start3A_34 = tpu.memref_slice %arg5[%scan3A_28, %dma_start3A_33] : memref<40x128xi32, #tpu.memory_space<vmem>> -> memref<1x128xi32, #tpu.memory_space<vmem>>
      %dma_start3A_35 = tpu.memref_squeeze %dma_start3A_34 : memref<1x128xi32, #tpu.memory_space<vmem>> -> memref<128xi32, #tpu.memory_space<vmem>>
      %dma_start3A_36 = arith.constant 0 : i32
      %dma_start3A_37 = arith.constant 0 : i32
      %dma_start3A_38 = tpu.memref_slice %arg2[%dma_start3A_36, %dma_start3A_37] : memref<10000x16xf32, #tpu.memory_space<hbm>> -> memref<10000x16xf32, #tpu.memory_space<hbm>>
      tpu.enqueue_indirect_dma source(%dma_start3A_38 : memref<10000x16xf32, #tpu.memory_space<hbm>>) target(%dma_start3A_32 : memref<128x16xf32, #tpu.memory_space<vmem>>) offsets(%dma_start3A_35 : memref<128xi32, #tpu.memory_space<vmem>>) semaphore(%arg7 : memref<!tpu.dma_semaphore, #tpu.memory_space<semaphore_mem>>)
      %dma_wait3A_39 = arith.constant 0 : i32
      %dma_wait3A_40 = tpu.memref_slice %arg6[%mul3A_30, %dma_wait3A_39] : memref<5120x16xf32, #tpu.memory_space<vmem>> -> memref<128x16xf32, #tpu.memory_space<vmem>>
      %dma_wait3A_41 = arith.constant 0 : i32
      %dma_wait3A_42 = tpu.memref_slice %arg5[%scan3A_28, %dma_wait3A_41] : memref<40x128xi32, #tpu.memory_space<vmem>> -> memref<1x128xi32, #tpu.memory_space<vmem>>
      %dma_wait3A_43 = tpu.memref_squeeze %dma_wait3A_42 : memref<1x128xi32, #tpu.memory_space<vmem>> -> memref<128xi32, #tpu.memory_space<vmem>>
      %dma_wait3A_44 = arith.constant 0 : i32
      %dma_wait3A_45 = arith.constant 0 : i32
      %dma_wait3A_46 = tpu.memref_slice %arg2[%dma_wait3A_44, %dma_wait3A_45] : memref<10000x16xf32, #tpu.memory_space<hbm>> -> memref<10000x16xf32, #tpu.memory_space<hbm>>
      tpu.wait_indirect_dma semaphore(%arg7 : memref<!tpu.dma_semaphore, #tpu.memory_space<semaphore_mem>>) src(%dma_wait3A_46 : memref<10000x16xf32, #tpu.memory_space<hbm>>) dst(%dma_wait3A_40 : memref<128x16xf32, #tpu.memory_space<vmem>>)
      %scan3A_47 = arith.constant 2 : i32
      %scan3A_48 = arith.addi %scan3A_10, %scan3A_47 : i32
      %mul3A_49 = arith.constant 128 : i32
      %mul3A_50 = arith.muli %scan3A_48, %mul3A_49 : i32
      %dma_start3A_51 = arith.constant 0 : i32
      %dma_start3A_52 = tpu.memref_slice %arg6[%mul3A_50, %dma_start3A_51] : memref<5120x16xf32, #tpu.memory_space<vmem>> -> memref<128x16xf32, #tpu.memory_space<vmem>>
      %dma_start3A_53 = arith.constant 0 : i32
      %dma_start3A_54 = tpu.memref_slice %arg5[%scan3A_48, %dma_start3A_53] : memref<40x128xi32, #tpu.memory_space<vmem>> -> memref<1x128xi32, #tpu.memory_space<vmem>>
      %dma_start3A_55 = tpu.memref_squeeze %dma_start3A_54 : memref<1x128xi32, #tpu.memory_space<vmem>> -> memref<128xi32, #tpu.memory_space<vmem>>
      %dma_start3A_56 = arith.constant 0 : i32
      %dma_start3A_57 = arith.constant 0 : i32
      %dma_start3A_58 = tpu.memref_slice %arg2[%dma_start3A_56, %dma_start3A_57] : memref<10000x16xf32, #tpu.memory_space<hbm>> -> memref<10000x16xf32, #tpu.memory_space<hbm>>
      tpu.enqueue_indirect_dma source(%dma_start3A_58 : memref<10000x16xf32, #tpu.memory_space<hbm>>) target(%dma_start3A_52 : memref<128x16xf32, #tpu.memory_space<vmem>>) offsets(%dma_start3A_55 : memref<128xi32, #tpu.memory_space<vmem>>) semaphore(%arg7 : memref<!tpu.dma_semaphore, #tpu.memory_space<semaphore_mem>>)
      %dma_wait3A_59 = arith.constant 0 : i32
      %dma_wait3A_60 = tpu.memref_slice %arg6[%mul3A_50, %dma_wait3A_59] : memref<5120x16xf32, #tpu.memory_space<vmem>> -> memref<128x16xf32, #tpu.memory_space<vmem>>
      %dma_wait3A_61 = arith.constant 0 : i32
      %dma_wait3A_62 = tpu.memref_slice %arg5[%scan3A_48, %dma_wait3A_61] : memref<40x128xi32, #tpu.memory_space<vmem>> -> memref<1x128xi32, #tpu.memory_space<vmem>>
      %dma_wait3A_63 = tpu.memref_squeeze %dma_wait3A_62 : memref<1x128xi32, #tpu.memory_space<vmem>> -> memref<128xi32, #tpu.memory_space<vmem>>
      %dma_wait3A_64 = arith.constant 0 : i32
      %dma_wait3A_65 = arith.constant 0 : i32
      %dma_wait3A_66 = tpu.memref_slice %arg2[%dma_wait3A_64, %dma_wait3A_65] : memref<10000x16xf32, #tpu.memory_space<hbm>> -> memref<10000x16xf32, #tpu.memory_space<hbm>>
      tpu.wait_indirect_dma semaphore(%arg7 : memref<!tpu.dma_semaphore, #tpu.memory_space<semaphore_mem>>) src(%dma_wait3A_66 : memref<10000x16xf32, #tpu.memory_space<hbm>>) dst(%dma_wait3A_60 : memref<128x16xf32, #tpu.memory_space<vmem>>)
      %scan3A_67 = arith.constant 3 : i32
      %scan3A_68 = arith.addi %scan3A_10, %scan3A_67 : i32
      %mul3A_69 = arith.constant 128 : i32
      %mul3A_70 = arith.muli %scan3A_68, %mul3A_69 : i32
      %dma_start3A_71 = arith.constant 0 : i32
      %dma_start3A_72 = tpu.memref_slice %arg6[%mul3A_70, %dma_start3A_71] : memref<5120x16xf32, #tpu.memory_space<vmem>> -> memref<128x16xf32, #tpu.memory_space<vmem>>
      %dma_start3A_73 = arith.constant 0 : i32
      %dma_start3A_74 = tpu.memref_slice %arg5[%scan3A_68, %dma_start3A_73] : memref<40x128xi32, #tpu.memory_space<vmem>> -> memref<1x128xi32, #tpu.memory_space<vmem>>
      %dma_start3A_75 = tpu.memref_squeeze %dma_start3A_74 : memref<1x128xi32, #tpu.memory_space<vmem>> -> memref<128xi32, #tpu.memory_space<vmem>>
      %dma_start3A_76 = arith.constant 0 : i32
      %dma_start3A_77 = arith.constant 0 : i32
      %dma_start3A_78 = tpu.memref_slice %arg2[%dma_start3A_76, %dma_start3A_77] : memref<10000x16xf32, #tpu.memory_space<hbm>> -> memref<10000x16xf32, #tpu.memory_space<hbm>>
      tpu.enqueue_indirect_dma source(%dma_start3A_78 : memref<10000x16xf32, #tpu.memory_space<hbm>>) target(%dma_start3A_72 : memref<128x16xf32, #tpu.memory_space<vmem>>) offsets(%dma_start3A_75 : memref<128xi32, #tpu.memory_space<vmem>>) semaphore(%arg7 : memref<!tpu.dma_semaphore, #tpu.memory_space<semaphore_mem>>)
      %dma_wait3A_79 = arith.constant 0 : i32
      %dma_wait3A_80 = tpu.memref_slice %arg6[%mul3A_70, %dma_wait3A_79] : memref<5120x16xf32, #tpu.memory_space<vmem>> -> memref<128x16xf32, #tpu.memory_space<vmem>>
      %dma_wait3A_81 = arith.constant 0 : i32
      %dma_wait3A_82 = tpu.memref_slice %arg5[%scan3A_68, %dma_wait3A_81] : memref<40x128xi32, #tpu.memory_space<vmem>> -> memref<1x128xi32, #tpu.memory_space<vmem>>
      %dma_wait3A_83 = tpu.memref_squeeze %dma_wait3A_82 : memref<1x128xi32, #tpu.memory_space<vmem>> -> memref<128xi32, #tpu.memory_space<vmem>>
      %dma_wait3A_84 = arith.constant 0 : i32
      %dma_wait3A_85 = arith.constant 0 : i32
      %dma_wait3A_86 = tpu.memref_slice %arg2[%dma_wait3A_84, %dma_wait3A_85] : memref<10000x16xf32, #tpu.memory_space<hbm>> -> memref<10000x16xf32, #tpu.memory_space<hbm>>
      tpu.wait_indirect_dma semaphore(%arg7 : memref<!tpu.dma_semaphore, #tpu.memory_space<semaphore_mem>>) src(%dma_wait3A_86 : memref<10000x16xf32, #tpu.memory_space<hbm>>) dst(%dma_wait3A_80 : memref<128x16xf32, #tpu.memory_space<vmem>>)
      %scan3A_87 = arith.constant 4 : i32
      %scan3A_88 = arith.addi %scan3A_10, %scan3A_87 : i32
      %mul3A_89 = arith.constant 128 : i32
      %mul3A_90 = arith.muli %scan3A_88, %mul3A_89 : i32
      %dma_start3A_91 = arith.constant 0 : i32
      %dma_start3A_92 = tpu.memref_slice %arg6[%mul3A_90, %dma_start3A_91] : memref<5120x16xf32, #tpu.memory_space<vmem>> -> memref<128x16xf32, #tpu.memory_space<vmem>>
      %dma_start3A_93 = arith.constant 0 : i32
      %dma_start3A_94 = tpu.memref_slice %arg5[%scan3A_88, %dma_start3A_93] : memref<40x128xi32, #tpu.memory_space<vmem>> -> memref<1x128xi32, #tpu.memory_space<vmem>>
      %dma_start3A_95 = tpu.memref_squeeze %dma_start3A_94 : memref<1x128xi32, #tpu.memory_space<vmem>> -> memref<128xi32, #tpu.memory_space<vmem>>
      %dma_start3A_96 = arith.constant 0 : i32
      %dma_start3A_97 = arith.constant 0 : i32
      %dma_start3A_98 = tpu.memref_slice %arg2[%dma_start3A_96, %dma_start3A_97] : memref<10000x16xf32, #tpu.memory_space<hbm>> -> memref<10000x16xf32, #tpu.memory_space<hbm>>
      tpu.enqueue_indirect_dma source(%dma_start3A_98 : memref<10000x16xf32, #tpu.memory_space<hbm>>) target(%dma_start3A_92 : memref<128x16xf32, #tpu.memory_space<vmem>>) offsets(%dma_start3A_95 : memref<128xi32, #tpu.memory_space<vmem>>) semaphore(%arg7 : memref<!tpu.dma_semaphore, #tpu.memory_space<semaphore_mem>>)
      %dma_wait3A_99 = arith.constant 0 : i32
      %dma_wait3A_100 = tpu.memref_slice %arg6[%mul3A_90, %dma_wait3A_99] : memref<5120x16xf32, #tpu.memory_space<vmem>> -> memref<128x16xf32, #tpu.memory_space<vmem>>
      %dma_wait3A_101 = arith.constant 0 : i32
      %dma_wait3A_102 = tpu.memref_slice %arg5[%scan3A_88, %dma_wait3A_101] : memref<40x128xi32, #tpu.memory_space<vmem>> -> memref<1x128xi32, #tpu.memory_space<vmem>>
      %dma_wait3A_103 = tpu.memref_squeeze %dma_wait3A_102 : memref<1x128xi32, #tpu.memory_space<vmem>> -> memref<128xi32, #tpu.memory_space<vmem>>
      %dma_wait3A_104 = arith.constant 0 : i32
      %dma_wait3A_105 = arith.constant 0 : i32
      %dma_wait3A_106 = tpu.memref_slice %arg2[%dma_wait3A_104, %dma_wait3A_105] : memref<10000x16xf32, #tpu.memory_space<hbm>> -> memref<10000x16xf32, #tpu.memory_space<hbm>>
      tpu.wait_indirect_dma semaphore(%arg7 : memref<!tpu.dma_semaphore, #tpu.memory_space<semaphore_mem>>) src(%dma_wait3A_106 : memref<10000x16xf32, #tpu.memory_space<hbm>>) dst(%dma_wait3A_100 : memref<128x16xf32, #tpu.memory_space<vmem>>)
      %scan3A_107 = arith.constant 5 : i32
      %scan3A_108 = arith.addi %scan3A_10, %scan3A_107 : i32
      %mul3A_109 = arith.constant 128 : i32
      %mul3A_110 = arith.muli %scan3A_108, %mul3A_109 : i32
      %dma_start3A_111 = arith.constant 0 : i32
      %dma_start3A_112 = tpu.memref_slice %arg6[%mul3A_110, %dma_start3A_111] : memref<5120x16xf32, #tpu.memory_space<vmem>> -> memref<128x16xf32, #tpu.memory_space<vmem>>
      %dma_start3A_113 = arith.constant 0 : i32
      %dma_start3A_114 = tpu.memref_slice %arg5[%scan3A_108, %dma_start3A_113] : memref<40x128xi32, #tpu.memory_space<vmem>> -> memref<1x128xi32, #tpu.memory_space<vmem>>
      %dma_start3A_115 = tpu.memref_squeeze %dma_start3A_114 : memref<1x128xi32, #tpu.memory_space<vmem>> -> memref<128xi32, #tpu.memory_space<vmem>>
      %dma_start3A_116 = arith.constant 0 : i32
      %dma_start3A_117 = arith.constant 0 : i32
      %dma_start3A_118 = tpu.memref_slice %arg2[%dma_start3A_116, %dma_start3A_117] : memref<10000x16xf32, #tpu.memory_space<hbm>> -> memref<10000x16xf32, #tpu.memory_space<hbm>>
      tpu.enqueue_indirect_dma source(%dma_start3A_118 : memref<10000x16xf32, #tpu.memory_space<hbm>>) target(%dma_start3A_112 : memref<128x16xf32, #tpu.memory_space<vmem>>) offsets(%dma_start3A_115 : memref<128xi32, #tpu.memory_space<vmem>>) semaphore(%arg7 : memref<!tpu.dma_semaphore, #tpu.memory_space<semaphore_mem>>)
      %dma_wait3A_119 = arith.constant 0 : i32
      %dma_wait3A_120 = tpu.memref_slice %arg6[%mul3A_110, %dma_wait3A_119] : memref<5120x16xf32, #tpu.memory_space<vmem>> -> memref<128x16xf32, #tpu.memory_space<vmem>>
      %dma_wait3A_121 = arith.constant 0 : i32
      %dma_wait3A_122 = tpu.memref_slice %arg5[%scan3A_108, %dma_wait3A_121] : memref<40x128xi32, #tpu.memory_space<vmem>> -> memref<1x128xi32, #tpu.memory_space<vmem>>
      %dma_wait3A_123 = tpu.memref_squeeze %dma_wait3A_122 : memref<1x128xi32, #tpu.memory_space<vmem>> -> memref<128xi32, #tpu.memory_space<vmem>>
      %dma_wait3A_124 = arith.constant 0 : i32
      %dma_wait3A_125 = arith.constant 0 : i32
      %dma_wait3A_126 = tpu.memref_slice %arg2[%dma_wait3A_124, %dma_wait3A_125] : memref<10000x16xf32, #tpu.memory_space<hbm>> -> memref<10000x16xf32, #tpu.memory_space<hbm>>
      tpu.wait_indirect_dma semaphore(%arg7 : memref<!tpu.dma_semaphore, #tpu.memory_space<semaphore_mem>>) src(%dma_wait3A_126 : memref<10000x16xf32, #tpu.memory_space<hbm>>) dst(%dma_wait3A_120 : memref<128x16xf32, #tpu.memory_space<vmem>>)
      %scan3A_127 = arith.constant 6 : i32
      %scan3A_128 = arith.addi %scan3A_10, %scan3A_127 : i32
      %mul3A_129 = arith.constant 128 : i32
      %mul3A_130 = arith.muli %scan3A_128, %mul3A_129 : i32
      %dma_start3A_131 = arith.constant 0 : i32
      %dma_start3A_132 = tpu.memref_slice %arg6[%mul3A_130, %dma_start3A_131] : memref<5120x16xf32, #tpu.memory_space<vmem>> -> memref<128x16xf32, #tpu.memory_space<vmem>>
      %dma_start3A_133 = arith.constant 0 : i32
      %dma_start3A_134 = tpu.memref_slice %arg5[%scan3A_128, %dma_start3A_133] : memref<40x128xi32, #tpu.memory_space<vmem>> -> memref<1x128xi32, #tpu.memory_space<vmem>>
      %dma_start3A_135 = tpu.memref_squeeze %dma_start3A_134 : memref<1x128xi32, #tpu.memory_space<vmem>> -> memref<128xi32, #tpu.memory_space<vmem>>
      %dma_start3A_136 = arith.constant 0 : i32
      %dma_start3A_137 = arith.constant 0 : i32
      %dma_start3A_138 = tpu.memref_slice %arg2[%dma_start3A_136, %dma_start3A_137] : memref<10000x16xf32, #tpu.memory_space<hbm>> -> memref<10000x16xf32, #tpu.memory_space<hbm>>
      tpu.enqueue_indirect_dma source(%dma_start3A_138 : memref<10000x16xf32, #tpu.memory_space<hbm>>) target(%dma_start3A_132 : memref<128x16xf32, #tpu.memory_space<vmem>>) offsets(%dma_start3A_135 : memref<128xi32, #tpu.memory_space<vmem>>) semaphore(%arg7 : memref<!tpu.dma_semaphore, #tpu.memory_space<semaphore_mem>>)
      %dma_wait3A_139 = arith.constant 0 : i32
      %dma_wait3A_140 = tpu.memref_slice %arg6[%mul3A_130, %dma_wait3A_139] : memref<5120x16xf32, #tpu.memory_space<vmem>> -> memref<128x16xf32, #tpu.memory_space<vmem>>
      %dma_wait3A_141 = arith.constant 0 : i32
      %dma_wait3A_142 = tpu.memref_slice %arg5[%scan3A_128, %dma_wait3A_141] : memref<40x128xi32, #tpu.memory_space<vmem>> -> memref<1x128xi32, #tpu.memory_space<vmem>>
      %dma_wait3A_143 = tpu.memref_squeeze %dma_wait3A_142 : memref<1x128xi32, #tpu.memory_space<vmem>> -> memref<128xi32, #tpu.memory_space<vmem>>
      %dma_wait3A_144 = arith.constant 0 : i32
      %dma_wait3A_145 = arith.constant 0 : i32
      %dma_wait3A_146 = tpu.memref_slice %arg2[%dma_wait3A_144, %dma_wait3A_145] : memref<10000x16xf32, #tpu.memory_space<hbm>> -> memref<10000x16xf32, #tpu.memory_space<hbm>>
      tpu.wait_indirect_dma semaphore(%arg7 : memref<!tpu.dma_semaphore, #tpu.memory_space<semaphore_mem>>) src(%dma_wait3A_146 : memref<10000x16xf32, #tpu.memory_space<hbm>>) dst(%dma_wait3A_140 : memref<128x16xf32, #tpu.memory_space<vmem>>)
      %scan3A_147 = arith.constant 7 : i32
      %scan3A_148 = arith.addi %scan3A_10, %scan3A_147 : i32
      %mul3A_149 = arith.constant 128 : i32
      %mul3A_150 = arith.muli %scan3A_148, %mul3A_149 : i32
      %dma_start3A_151 = arith.constant 0 : i32
      %dma_start3A_152 = tpu.memref_slice %arg6[%mul3A_150, %dma_start3A_151] : memref<5120x16xf32, #tpu.memory_space<vmem>> -> memref<128x16xf32, #tpu.memory_space<vmem>>
      %dma_start3A_153 = arith.constant 0 : i32
      %dma_start3A_154 = tpu.memref_slice %arg5[%scan3A_148, %dma_start3A_153] : memref<40x128xi32, #tpu.memory_space<vmem>> -> memref<1x128xi32, #tpu.memory_space<vmem>>
      %dma_start3A_155 = tpu.memref_squeeze %dma_start3A_154 : memref<1x128xi32, #tpu.memory_space<vmem>> -> memref<128xi32, #tpu.memory_space<vmem>>
      %dma_start3A_156 = arith.constant 0 : i32
      %dma_start3A_157 = arith.constant 0 : i32
      %dma_start3A_158 = tpu.memref_slice %arg2[%dma_start3A_156, %dma_start3A_157] : memref<10000x16xf32, #tpu.memory_space<hbm>> -> memref<10000x16xf32, #tpu.memory_space<hbm>>
      tpu.enqueue_indirect_dma source(%dma_start3A_158 : memref<10000x16xf32, #tpu.memory_space<hbm>>) target(%dma_start3A_152 : memref<128x16xf32, #tpu.memory_space<vmem>>) offsets(%dma_start3A_155 : memref<128xi32, #tpu.memory_space<vmem>>) semaphore(%arg7 : memref<!tpu.dma_semaphore, #tpu.memory_space<semaphore_mem>>)
      %dma_wait3A_159 = arith.constant 0 : i32
      %dma_wait3A_160 = tpu.memref_slice %arg6[%mul3A_150, %dma_wait3A_159] : memref<5120x16xf32, #tpu.memory_space<vmem>> -> memref<128x16xf32, #tpu.memory_space<vmem>>
      %dma_wait3A_161 = arith.constant 0 : i32
      %dma_wait3A_162 = tpu.memref_slice %arg5[%scan3A_148, %dma_wait3A_161] : memref<40x128xi32, #tpu.memory_space<vmem>> -> memref<1x128xi32, #tpu.memory_space<vmem>>
      %dma_wait3A_163 = tpu.memref_squeeze %dma_wait3A_162 : memref<1x128xi32, #tpu.memory_space<vmem>> -> memref<128xi32, #tpu.memory_space<vmem>>
      %dma_wait3A_164 = arith.constant 0 : i32
      %dma_wait3A_165 = arith.constant 0 : i32
      %dma_wait3A_166 = tpu.memref_slice %arg2[%dma_wait3A_164, %dma_wait3A_165] : memref<10000x16xf32, #tpu.memory_space<hbm>> -> memref<10000x16xf32, #tpu.memory_space<hbm>>
      tpu.wait_indirect_dma semaphore(%arg7 : memref<!tpu.dma_semaphore, #tpu.memory_space<semaphore_mem>>) src(%dma_wait3A_166 : memref<10000x16xf32, #tpu.memory_space<hbm>>) dst(%dma_wait3A_160 : memref<128x16xf32, #tpu.memory_space<vmem>>)
    }
    %scan3A_7 = arith.constant 40 : i32
    %mul3A_8 = arith.constant 5120 : i32
    %mul3A_9 = arith.muli %add3A, %mul3A_8 : i32
    "tpu.region"() ({
      %run_scoped3A = tpu.sem_alloc : memref<!tpu.dma_semaphore, #tpu.memory_space<semaphore_mem>>
      %dma_start3A = arith.constant 0 : i32
      %dma_start3A_10 = tpu.memref_slice %arg4[%mul3A_9, %dma_start3A] : memref<163840x16xf32, #tpu.memory_space<hbm>> -> memref<5120x16xf32, #tpu.memory_space<hbm>>
      %dma_start3A_11 = arith.constant 0 : i32
      %dma_start3A_12 = tpu.memref_slice %arg4[%mul3A_9, %dma_start3A_11] : memref<163840x16xf32, #tpu.memory_space<hbm>> -> memref<5120x16xf32, #tpu.memory_space<hbm>>
      tpu.enqueue_dma source(%arg6 : memref<5120x16xf32, #tpu.memory_space<vmem>>) target(%dma_start3A_12 : memref<5120x16xf32, #tpu.memory_space<hbm>>) target_semaphore(%run_scoped3A : memref<!tpu.dma_semaphore, #tpu.memory_space<semaphore_mem>>)
      %dma_wait3A = arith.constant 0 : i32
      %dma_wait3A_13 = tpu.memref_slice %arg4[%mul3A_9, %dma_wait3A] : memref<163840x16xf32, #tpu.memory_space<hbm>> -> memref<5120x16xf32, #tpu.memory_space<hbm>>
      %dma_wait3A_14 = arith.constant 0 : i32
      %dma_wait3A_15 = tpu.memref_slice %arg4[%mul3A_9, %dma_wait3A_14] : memref<163840x16xf32, #tpu.memory_space<hbm>> -> memref<5120x16xf32, #tpu.memory_space<hbm>>
      tpu.wait_dma2 semaphore(%run_scoped3A : memref<!tpu.dma_semaphore, #tpu.memory_space<semaphore_mem>>) src(%arg6 : memref<5120x16xf32, #tpu.memory_space<vmem>>) dst(%dma_wait3A_15 : memref<5120x16xf32, #tpu.memory_space<hbm>>)
      tpu.yield
    }) : () -> ()
    return
  }
}

</mosaic_0001>

<sc_bundles>
// kernel: _sc_gather.3.cloned.1.call-start
scs
__scs_entry_jumppad:
0x0: {  	(pc) =	sbr.rel $0x88, $3  }
0x1: {  	(tag) =	ssettag $0x0;
	lr =	simm.s32 $0x1  }
0x2: {  	[smem:$0x3F9F] =	sst lr;
	_ =	strace $0xD0000000  }
0x3: {  	_ = 	snop  }
0x4: {  	_ = 	snop  }
0x5: {  	_ = 	snop  }
0x6: {  	_ = 	snop  }
0x7: {  	_ = 	snop  }
__scs_overlays_trampoline_lowered:
0x8: {  	[smem:$0x3FAE] =	sst s0  }
0x9: {  	[smem:$0x3FAF] =	sst s1  }
0xa: {  	[smem:$0x3FB0] =	sst s2  }
0xb: {  	[smem:$0x3FB1] =	sst s3  }
0xc: {  	[smem:$0x3FB2] =	sst s4  }
0xd: {  	[smem:$0x3FB3] =	sst s5  }
0xe: {  	[smem:$0x3FB4] =	sst s6  }
0xf: {  	[smem:$0x3FB5] =	sst s7  }
0x10: {  	[smem:$0x3FB6] =	sst s8  }
0x11: {  	[smem:$0x3FB7] =	sst s9;
	s0 =	simm.s32 @!p0 $0x0  }
0x12: {  	s1 =	sld [smem:$0x3F9D];
	s0 =	simm.s32 @p0 $0x1  }
0x13: {  	[smem:$0x3FB8] =	sst s0;
	s0 =	simm.s32 @!p1 $0x0  }
0x14: {  	s2 =	sld [smem:$0x3F9C];
	s0 =	simm.s32 @p1 $0x1  }
0x15: {  	[smem:$0x3FB9] =	sst s0;
	s0 =	simm.s32 @!p2 $0x0  }
0x16: {  	s3 =	sld [smem:$0x3FDB];
	s0 =	simm.s32 @p2 $0x1  }
0x17: {  	s4 =	simm.s32 $0x1BF5;
	[smem:$0x3FBB] =	sst s0  }
0x18: {  	s0 =	sld [smem:$0x3F9E];
	_ =	swait.ge [sflag:s4], $0x0  }
0x19: {  	s7 =	sld [smem:$0x3F9F]  }
0x1a: {  	s8 =	sadd.s32 $0xFFFFE003, lr  }
0x1b: {  	s9 =	sadd.s32 $0xFFFFFEF7, lr;
	s5 =	simm.s32 $0xFFFFFFFF;
	p2 =	slt.u32 s8, $0xFFFFF086  }
0x1c: {  	p1 =	slt.u32 s9, $0xF7A;
	s5 =	simm.s32 @!p2 $0x0  }
0x1d: {  	s5 =	simm.s32 @p1 $0x1;
	p0 =	seq.s32 s7, s2  }
0x1e: {  	s7 =	smul.u32 @!p0 $0xF7A, s2;
	p2 =	seq.s32 @!p0 s5, $0x0  }
0x1f: {  	s9 =	smul.u32 $0xF7A, s1;
	s8 =	simm.s32 @!p0 $0x1BF5;
	p2 =	por !p2, p0  }
0x20: {  	[sflag:s8] =	ssyncset.s32 @!p0 $0xFFFFF086;
	s6 =	sadd.s32 @!p0 s3, s7;
	s7 =	simm.s32 @!p0 $0x108  }
0x21: {  	s3 =	sadd.s32 s3, s9;
	s6 =	sadd.s32 @!p0 $0x88, s6;
	s7 =	simm.s32 @p2 $0x1082  }
0x22: {  	[simem:s7], [sflag:s8] =	dma.local @!p0 [hbm:s6], $0xF7A  }
0x23: {  	s9 =	sor.u32 $0xD0000000, s2;
	s6 =	simm.s32 $0x108;
	_ =	swait.ge @!p0 [sflag:s8], $0x0  }
0x24: {  	s3 =	sadd.s32 $0x88, s3;
	s6 =	simm.s32 @!p1 $0x1082;
	[sflag:s4] =	ssyncset.s32 $0xFFFFF086  }
0x25: {  	[simem:s6], [sflag:s4] =	dma.local [hbm:s3], $0xF7A  }
0x26: {  	[smem:$0x3F9F] =	sst s1;
	(tag) =	ssettag s2;
	_ =	strace s9  }
0x27: {  	s1 =	sld [smem:$0x3FAF]  }
0x28: {  	s2 =	sld [smem:$0x3FB0]  }
0x29: {  	s4 =	sld [smem:$0x3FB2]  }
0x2a: {  	p0 =	seq.s32 s5, $0x0;
	s5 =	sld [smem:$0x3FB3]  }
0x2b: {  	s6 =	sld [smem:$0x3FB4]  }
0x2c: {  	s7 =	sld [smem:$0x3FB5]  }
0x2d: {  	s3 =	simm.s32 $0x108;
	s8 =	sld [smem:$0x3FB6]  }
0x2e: {  	s3 =	simm.s32 @!p0 $0x1082;
	s9 =	sld [smem:$0x3FB7]  }
0x2f: {  	lr =	sadd.s32 s0, s3;
	s0 =	sld [smem:$0x3FAE]  }
0x30: {  	s3 =	sld [smem:$0x3FB1]  }
0x31: {  	[smem:$0x3FBA] =	sst s10  }
0x32: {  	s10 =	sld [smem:$0x3FB8];
	_ =	sdelay $0x3  }
0x33: {  	p0 =	seq.s32 s10, $0x1;
	s10 =	sld [smem:$0x3FBA];
	_ =	sdelay $0x3  }
0x34: {  	[smem:$0x3FBA] =	sst s10  }
0x35: {  	s10 =	sld [smem:$0x3FB9];
	_ =	sdelay $0x3  }
0x36: {  	p1 =	seq.s32 s10, $0x1;
	s10 =	sld [smem:$0x3FBA];
	_ =	sdelay $0x3  }
0x37: {  	[smem:$0x3FBA] =	sst s10  }
0x38: {  	s10 =	sld [smem:$0x3FBB]  }
0x39: {  	_ = 	snop;
	(pc) =	sbr.ind lr, $3  }
0x3a: {  	_ = 	snop  }
0x3b: {  	_ = 	snop  }
0x3c: {  	p2 =	seq.s32 s10, $0x1;
	s10 =	sld [smem:$0x3FBA]  }
0x3d: {  	_ =	shalt  }
0x3e: {  	_ =	shalt  }
0x3f: {  	_ =	shalt  }
0x40: {  	_ =	shalt  }
0x41: {  	_ =	shalt  }
0x42: {  	_ =	shalt  }
0x43: {  	_ =	shalt  }
0x44: {  	_ =	shalt  }
0x45: {  	_ =	shalt  }
0x46: {  	_ =	shalt  }
0x47: {  	_ =	shalt  }
0x48: {  	_ =	shalt  }
0x49: {  	_ =	shalt  }
0x4a: {  	_ =	shalt  }
0x4b: {  	_ =	shalt  }
0x4c: {  	_ =	shalt  }
0x4d: {  	_ =	shalt  }
0x4e: {  	_ =	shalt  }
0x4f: {  	_ =	shalt  }
0x50: {  	_ =	shalt  }
0x51: {  	_ =	shalt  }
0x52: {  	_ =	shalt  }
0x53: {  	_ =	shalt  }
0x54: {  	_ =	shalt  }
0x55: {  	_ =	shalt  }
0x56: {  	_ =	shalt  }
0x57: {  	_ =	shalt  }
0x58: {  	_ =	shalt  }
0x59: {  	_ =	shalt  }
0x5a: {  	_ =	shalt  }
0x5b: {  	_ =	shalt  }
0x5c: {  	_ =	shalt  }
0x5d: {  	_ =	shalt  }
0x5e: {  	_ =	shalt  }
0x5f: {  	_ =	shalt  }
0x60: {  	_ =	shalt  }
0x61: {  	_ =	shalt  }
0x62: {  	_ =	shalt  }
0x63: {  	_ =	shalt  }
0x64: {  	_ =	shalt  }
0x65: {  	_ =	shalt  }
0x66: {  	_ =	shalt  }
0x67: {  	_ =	shalt  }
0x68: {  	_ =	shalt  }
0x69: {  	_ =	shalt  }
0x6a: {  	_ =	shalt  }
0x6b: {  	_ =	shalt  }
0x6c: {  	_ =	shalt  }
0x6d: {  	_ =	shalt  }
0x6e: {  	_ =	shalt  }
0x6f: {  	_ =	shalt  }
0x70: {  	_ =	shalt  }
0x71: {  	_ =	shalt  }
0x72: {  	_ =	shalt  }
0x73: {  	_ =	shalt  }
0x74: {  	_ =	shalt  }
0x75: {  	_ =	shalt  }
0x76: {  	_ =	shalt  }
0x77: {  	_ =	shalt  }
0x78: {  	_ =	shalt  }
0x79: {  	_ =	shalt  }
0x7a: {  	_ =	shalt  }
0x7b: {  	_ =	shalt  }
0x7c: {  	_ =	shalt  }
0x7d: {  	_ =	shalt  }
0x7e: {  	_ =	shalt  }
0x7f: {  	_ =	shalt  }
0x80: {  	_ =	shalt  }
0x81: {  	_ =	shalt  }
0x82: {  	_ =	shalt  }
0x83: {  	_ =	shalt  }
0x84: {  	_ =	shalt  }
0x85: {  	_ =	shalt  }
0x86: {  	_ =	shalt  }
0x87: {  	_ =	shalt  }
.Lfunc_end0:
.L_simem_size_0:
called_computation_lowered:
.L_overlay_start_0:
0x88: {  	s2 =	sld [smem:$0x3FD9]  }
0x89: {  	s3 =	sld [smem:$0x3FFE];
	_ =	sdelay $0x1  }
0x8a: {  	s1 =	srdreg.scid  }
0x8b: {  	s0 =	sand.u32 $0x1, s1  }
0x8c: {  	s17 =	sshll.u32 s0, $0xA;
	s2 =	sadd.s32 s3, s2  }
0x8d: {  	s2 =	sadd.s32 s2, s17  }
0x8e: {  	[smem:$0x3FC6] =	sst s2  }
0x8f: {  	_ = 	snop  }
0x90: {  	s2 =	sld [smem:$0x3FC8]  }
0x91: {  	s18 =	sld [smem:$0x3FD0];
	(tm) =	ssettm $0x1  }
0x92: {  	s4 =	sld [smem:$0x3FFB];
	_ =	sdelay $0x3  }
0x93: {  	_ =	strace s4  }
0x94: {  	s4 =	sld [smem:$0x3FFC];
	_ =	sdelay $0x3  }
0x95: {  	_ =	strace s4  }
0x96: {  	s4 =	sld [smem:$0x3FFD];
	_ =	sdelay $0x3  }
0x97: {  	_ =	strace s4  }
0x98: {  	_ =	strace $0x8FFFFFFF  }
0x99: {  	s19 =	sld [smem:$0x3FDB];
	_ =	sdelay $0x1  }
0x9a: {  	s5 =	simm.s32 $_scs_section_size  }
0x9b: {  	s6 =	simm.s32 $_size__tile_overlayer_lowered;
	s7 =	simm.s32 $_tile_overlayer_lowered  }
0x9c: {  	s22 =	simm.s32 $0x1BFF;
	s21 =	sshll.u32 s7, $0x1;
	s4 =	sadd.s32 s5, s19  }
0x9d: {  	s8 =	simm.s32 $0x0;
	s20 =	sshll.u32 s6, $0x1;
	s6 =	sadd.s32 s21, s4  }
0x9e: {  	[timem:s8], [sflag:s22] =	dma.local [hbm:s6], s20  }
0x9f: {  	_ =	swait.ge [sflag:s22], s20  }
0xa0: {  	s5 =	ssub.s32 $0x0, s20;
	[sflag:s22] =	ssyncset.done $0x0  }
0xa1: {  	[sflag:s22] =	ssyncadd.s32 s5;
	_ =	sdelay $0x1  }
0xa2: {  	s23 =	simm.s32 $0x1B8B  }
0xa3: {  	_ =	swait.ge [sflag:s23], $0x1  }
0xa4: {  	[sflag:s23] =	ssyncset.done $0x0  }
0xa5: {  	s25 =	simm.s32 $0x1B8E;
	s24 =	sld [smem:$0x3FFE];
	[sflag:s23] =	ssyncadd.s32 $0xFFFFFFFF  }
0xa6: {  	s26 =	simm.s32 $execute0_lowered;
	[smem:$0x3FD2] =	sst s25  }
0xa7: {  	s6 =	sshll.u32 s26, $0x1;
	_ =	strace $0x80000046;
	[dreg:$0x1] =	wrdreg $0xFFFFFFFF  }
0xa8: {  	s28 =	simm.s32 $_size_execute0_lowered;
	s4 =	sadd.s32 s4, s6;
	[dreg:$0x0] =	wrdreg $0x0  }
0xa9: {  	s6 =	sshll.u32 s28, $0x1;
	[dreg:$0x2] =	wrdreg s4  }
0xaa: {  	[dreg:$0x3] =	wrdreg s6  }
0xab: {  	[dreg:$0x4] =	wrdreg $0xC0  }
0xac: {  	_ =	task [dreg:s8], $0x5FFFF  }
0xad: {  	[dreg:$0x1] =	wrdreg $0xFFFFFFFF  }
0xae: {  	[dreg:$0x0] =	wrdreg $0x60  }
0xaf: {  	[dreg:$0x2] =	wrdreg s24  }
0xb0: {  	[dreg:$0x3] =	wrdreg s2  }
0xb1: {  	[dreg:$0x4] =	wrdreg s18  }
0xb2: {  	[dreg:$0x5] =	wrdreg $0x9  }
0xb3: {  	_ =	task.clear_ibuf [dreg:s8], $0x6FFFF;
	_ =	strace $0x90000046  }
0xb4: {  	s29 =	simm.s32 $0x9;
	_ =	strace $0x80000048  }
0xb5: {  	_ =	swait.ge [sflag:s29], $0x1  }
0xb6: {  	[sflag:s29] =	ssyncadd.s32 $0xFFFFFFFF  }
0xb7: {  	_ =	strace $0x90000048  }
0xb8: {  	_ =	sfence  }
0xb9: {  	s30 =	sld [smem:$0x0];
	_ =	sdelay $0x2  }
0xba: {  	s31 =	sshll.u32 s1, $0xD;
	s1 =	sshrl.u32 s1, $0x2  }
0xbb: {  	s3 =	sand.u32 $0x4000, s31;
	s1 =	sadd.s32 s1, s30  }
0xbc: {  	s0 =	sor.u32 s3, s0;
	s1 =	sshll.u32 s1, $0x11  }
0xbd: {  	s0 =	sor.u32 s1, s0  }
0xbe: {  	s0 =	sadd.s32 $0x8F2B, s0  }
0xbf: {  	[sflag:s0] =	ssyncadd.remote.s32 $0x1  }
0xc0: {  	_ =	sfence.sel $0xFFFF  }
0xc1: {  	[dreg:$0x0] =	wrdreg $0xFFFFFFFF;
	(pc) =	sbr.abs _section_cstart, $3  }
0xc2: {  	[dreg:$0x1] =	wrdreg $0xFFFFFFFF  }
0xc3: {  	_ =	task.clear_ibuf [dreg:s8], $0x2FFFF;
	_ =	strace $0x9FFFFFFF  }
0xc4: {  	(tm) =	ssettm $0x7FFFFFFF  }
0xc5: {  	_ =	shalt  }
tec
execute0_lowered:
.L_overlay_start_1:
0x0: {  	(tag) =	ssettag $0x1  }
0x1: {  	s0 =	srdreg.scid  }
0x2: {  	s4 =	rddreg [dreg:$0x0];
	s1 =	sand.u32 $0x1, s0  }
0x3: {  	s3 =	rddreg [dreg:$0x1];
	s23 =	stileid.u32;
	s2 =	sshll.u32 s1, $0x4  }
0x4: {  	s5 =	rddreg [dreg:$0x2];
	s6 =	sor.u32 s23, s2;
	s2 =	simm.s32 $0x0  }
0x5: {  	s25 =	simm.s32 $0x1C00;
	[smem:$0x7FF] =	sst s2  }
0x6: {  	s26 =	simm.s32 $0x100;
	_ =	strace $0x80000047;
	[dreg:$0x6] =	wrdreg s25  }
0x7: {  	s0 =	simm.s32 $0x2400;
	[dreg:$0x7] =	wrdreg s26  }
0x8: {  	s8 =	simm.s32 $0x3400;
	[dreg:$0x8] =	wrdreg s0  }
0x9: {  	s9 =	simm.s32 $0x280;
	[dreg:$0xc] =	wrdreg s8  }
0xa: {  	s10 =	simm.s32 $0x3C00;
	[dreg:$0xd] =	wrdreg s9  }
0xb: {  	s11 =	simm.s32 $0x300;
	[dreg:$0xe] =	wrdreg s10  }
0xc: {  	s12 =	simm.s32 $0x4400;
	[dreg:$0xf] =	wrdreg s11  }
0xd: {  	s13 =	simm.s32 $0x380;
	[dreg:$0x10] =	wrdreg s12  }
0xe: {  	s14 =	simm.s32 $0x4C00;
	[dreg:$0x11] =	wrdreg s13  }
0xf: {  	s15 =	simm.s32 $0x400;
	[dreg:$0x12] =	wrdreg s14  }
0x10: {  	s16 =	simm.s32 $0x5400;
	[dreg:$0x13] =	wrdreg s15  }
0x11: {  	s17 =	simm.s32 $0x480;
	[dreg:$0x14] =	wrdreg s16  }
0x12: {  	s18 =	simm.s32 $0x5C00;
	[dreg:$0x15] =	wrdreg s17  }
0x13: {  	s19 =	simm.s32 $0x500;
	[dreg:$0x16] =	wrdreg s18  }
0x14: {  	s20 =	simm.s32 $0x6400;
	[dreg:$0x17] =	wrdreg s19  }
0x15: {  	s21 =	simm.s32 $0x580;
	[dreg:$0x18] =	wrdreg s20  }
0x16: {  	s22 =	simm.s32 $0x6C00;
	[dreg:$0x19] =	wrdreg s21  }
0x17: {  	s23 =	simm.s32 $0x600;
	[dreg:$0x1a] =	wrdreg s22  }
0x18: {  	[dreg:$0x1b] =	wrdreg s23;
	s25 =	simm.s32 $0x680  }
0x19: {  	s26 =	simm.s32 $0x7C00;
	[dreg:$0x1d] =	wrdreg s25  }
0x1a: {  	s0 =	simm.s32 $0x700;
	[dreg:$0x1e] =	wrdreg s26  }
0x1b: {  	s8 =	simm.s32 $0x800;
	[dreg:$0x1f] =	wrdreg s0  }
0x1c: {  	s9 =	simm.s32 $0x9400;
	[smem:$0x7E5] =	sst s8  }
0x1d: {  	s10 =	simm.s32 $0x880;
	[smem:$0x7E6] =	sst s9  }
0x1e: {  	s11 =	simm.s32 $0x9C00;
	[smem:$0x7E7] =	sst s10  }
0x1f: {  	s12 =	simm.s32 $0x900;
	[smem:$0x7E8] =	sst s11  }
0x20: {  	s13 =	simm.s32 $0xA400;
	[smem:$0x7E9] =	sst s12  }
0x21: {  	s14 =	simm.s32 $0x980;
	[smem:$0x7EA] =	sst s13  }
0x22: {  	s15 =	simm.s32 $0xAC00;
	[smem:$0x7EB] =	sst s14  }
0x23: {  	s16 =	simm.s32 $0xA00;
	[smem:$0x7EC] =	sst s15  }
0x24: {  	s17 =	simm.s32 $0xB400;
	[smem:$0x7ED] =	sst s16  }
0x25: {  	s18 =	simm.s32 $0xA80;
	[smem:$0x7EE] =	sst s17  }
0x26: {  	s19 =	simm.s32 $0xBC00;
	[smem:$0x7EF] =	sst s18  }
0x27: {  	s20 =	simm.s32 $0xB00;
	[smem:$0x7F0] =	sst s19  }
0x28: {  	s21 =	simm.s32 $0xC400;
	[smem:$0x7F1] =	sst s20  }
0x29: {  	s7 =	smul.u32 $0x280, s6;
	s22 =	simm.s32 $0xB80;
	[smem:$0x7F2] =	sst s21  }
0x2a: {  	s6 =	smul.u32 $0x2800, s6;
	s23 =	simm.s32 $0xCC00;
	[smem:$0x7F3] =	sst s22  }
0x2b: {  	s3 =	sadd.s32 s3, s7;
	[smem:$0x7F4] =	sst s23  }
0x2c: {  	s24 =	sadd.s32 s5, s6;
	[dreg:$0x4] =	wrdreg s3  }
0x2d: {  	s5 =	simm.s32 $0x180;
	[dreg:$0x5] =	wrdreg s24  }
0x2e: {  	s6 =	simm.s32 $0x2C00;
	[dreg:$0x9] =	wrdreg s5  }
0x2f: {  	s7 =	simm.s32 $0x200;
	[dreg:$0xa] =	wrdreg s6  }
0x30: {  	s25 =	simm.s32 $0xD400;
	[dreg:$0xb] =	wrdreg s7  }
0x31: {  	s26 =	simm.s32 $0xC80;
	[smem:$0x7F6] =	sst s25  }
0x32: {  	s0 =	simm.s32 $0xDC00;
	[smem:$0x7F7] =	sst s26  }
0x33: {  	s8 =	simm.s32 $0xEC00;
	[smem:$0x7F8] =	sst s0  }
0x34: {  	s10 =	simm.s32 $0xE00;
	[smem:$0x7FC] =	sst s8  }
0x35: {  	s24 =	simm.s32 $0x7400;
	[smem:$0x7FD] =	sst s10  }
0x36: {  	s5 =	simm.s32 $0x8400;
	[dreg:$0x1c] =	wrdreg s24  }
0x37: {  	s6 =	simm.s32 $0x780;
	[smem:$0x7E2] =	sst s5  }
0x38: {  	s7 =	simm.s32 $0x8C00;
	[smem:$0x7E3] =	sst s6  }
0x39: {  	[smem:$0x7E4] =	sst s7  }
0x3a: {  	s24 =	simm.s32 $0xC00;
	s9 =	rddreg [dreg:$0x4]  }
0x3b: {  	s5 =	simm.s32 $0xD00;
	[smem:$0x7F5] =	sst s24  }
0x3c: {  	s6 =	simm.s32 $0xE400;
	[smem:$0x7F9] =	sst s5  }
0x3d: {  	s7 =	simm.s32 $0xD80;
	[smem:$0x7FA] =	sst s6  }
0x3e: {  	s3 =	simm.s32 $0x2;
	[smem:$0x7FB] =	sst s7  }
0x3f: {  	[tilespmem:s2], [sflag:$0x2] =	stream.linear.gather [hbm4b:s9+s2], $0x1400, $0x38;
	[tilespmem:$0x15400] =	vst v63  }
0x40: {  	_ =	swait.ge [sflag:s3], $0x1400  }
0x41: {  	s5 =	sadd.s32 $0x400, s4;
	s7 =	simm.s32 $0x80;
	[sflag:s3] =	ssyncset.done $0x0  }
0x42: {  	s4 =	simm.s32 $0x1400;
	s6 =	simm.s32 $0x1;
	[sflag:s3] =	ssyncadd.s32 $0xFFFFEC00  }
0x43: {  	[tilespmem:s4], [sflag:$0x1] =	stream.indirect.gather [hbm4b:s5+s7], $0x10, s2, s7, $0xb8;
	[tilespmem:$0x15400] =	vst v63  }
0x44: {  	_ =	swait.ge [sflag:s6], $0x800  }
0x45: {  	[sflag:s6] =	ssyncset.done $0x0  }
0x46: {  	s8 =	rddreg [dreg:$0x6];
	[sflag:s6] =	ssyncadd.s32 $0xFFFFF800  }
0x47: {  	[tilespmem:s8], [sflag:$0x1] =	stream.indirect.gather [hbm4b:s5+s7], $0x10, s7, s7, $0xb8;
	[tilespmem:$0x15400] =	vst v63  }
0x48: {  	_ =	swait.ge [sflag:s6], $0x800  }
0x49: {  	s11 =	rddreg [dreg:$0x7];
	[sflag:s6] =	ssyncset.done $0x0  }
0x4a: {  	s9 =	rddreg [dreg:$0x8];
	[sflag:s6] =	ssyncadd.s32 $0xFFFFF800  }
0x4b: {  	[tilespmem:s9], [sflag:$0x1] =	stream.indirect.gather [hbm4b:s5+s7], $0x10, s11, s7, $0xb8;
	[tilespmem:$0x15400] =	vst v63  }
0x4c: {  	_ =	swait.ge [sflag:s6], $0x800  }
0x4d: {  	s12 =	rddreg [dreg:$0x9];
	[sflag:s6] =	ssyncset.done $0x0  }
0x4e: {  	s13 =	rddreg [dreg:$0xa];
	[sflag:s6] =	ssyncadd.s32 $0xFFFFF800  }
0x4f: {  	[tilespmem:s13], [sflag:$0x1] =	stream.indirect.gather [hbm4b:s5+s7], $0x10, s12, s7, $0xb8;
	[tilespmem:$0x15400] =	vst v63  }
0x50: {  	_ =	swait.ge [sflag:s6], $0x800  }
0x51: {  	s14 =	rddreg [dreg:$0xb];
	[sflag:s6] =	ssyncset.done $0x0  }
0x52: {  	s15 =	rddreg [dreg:$0xc];
	[sflag:s6] =	ssyncadd.s32 $0xFFFFF800  }
0x53: {  	[tilespmem:s15], [sflag:$0x1] =	stream.indirect.gather [hbm4b:s5+s7], $0x10, s14, s7, $0xb8;
	[tilespmem:$0x15400] =	vst v63  }
0x54: {  	_ =	swait.ge [sflag:s6], $0x800  }
0x55: {  	s16 =	rddreg [dreg:$0xd];
	[sflag:s6] =	ssyncset.done $0x0  }
0x56: {  	s17 =	rddreg [dreg:$0xe];
	[sflag:s6] =	ssyncadd.s32 $0xFFFFF800  }
0x57: {  	[tilespmem:s17], [sflag:$0x1] =	stream.indirect.gather [hbm4b:s5+s7], $0x10, s16, s7, $0xb8;
	[tilespmem:$0x15400] =	vst v63  }
0x58: {  	_ =	swait.ge [sflag:s6], $0x800  }
0x59: {  	s18 =	rddreg [dreg:$0xf];
	[sflag:s6] =	ssyncset.done $0x0  }
0x5a: {  	s19 =	rddreg [dreg:$0x10];
	[sflag:s6] =	ssyncadd.s32 $0xFFFFF800  }
0x5b: {  	[tilespmem:s19], [sflag:$0x1] =	stream.indirect.gather [hbm4b:s5+s7], $0x10, s18, s7, $0xb8;
	[tilespmem:$0x15400] =	vst v63  }
0x5c: {  	_ =	swait.ge [sflag:s6], $0x800  }
0x5d: {  	s20 =	rddreg [dreg:$0x11];
	[sflag:s6] =	ssyncset.done $0x0  }
0x5e: {  	s21 =	rddreg [dreg:$0x12];
	[sflag:s6] =	ssyncadd.s32 $0xFFFFF800  }
0x5f: {  	[tilespmem:s21], [sflag:$0x1] =	stream.indirect.gather [hbm4b:s5+s7], $0x10, s20, s7, $0xb8;
	[tilespmem:$0x15400] =	vst v63  }
0x60: {  	_ =	swait.ge [sflag:s6], $0x800  }
0x61: {  	s22 =	rddreg [dreg:$0x13];
	[sflag:s6] =	ssyncset.done $0x0  }
0x62: {  	s23 =	rddreg [dreg:$0x14];
	[sflag:s6] =	ssyncadd.s32 $0xFFFFF800  }
0x63: {  	[tilespmem:s23], [sflag:$0x1] =	stream.indirect.gather [hbm4b:s5+s7], $0x10, s22, s7, $0xb8;
	[tilespmem:$0x15400] =	vst v63  }
0x64: {  	_ =	swait.ge [sflag:s6], $0x800  }
0x65: {  	s24 =	rddreg [dreg:$0x15];
	[sflag:s6] =	ssyncset.done $0x0  }
0x66: {  	s25 =	rddreg [dreg:$0x16];
	[sflag:s6] =	ssyncadd.s32 $0xFFFFF800  }
0x67: {  	[tilespmem:s25], [sflag:$0x1] =	stream.indirect.gather [hbm4b:s5+s7], $0x10, s24, s7, $0xb8;
	[tilespmem:$0x15400] =	vst v63  }
0x68: {  	_ =	swait.ge [sflag:s6], $0x800  }
0x69: {  	s26 =	rddreg [dreg:$0x17];
	[sflag:s6] =	ssyncset.done $0x0  }
0x6a: {  	s0 =	rddreg [dreg:$0x18];
	[sflag:s6] =	ssyncadd.s32 $0xFFFFF800  }
0x6b: {  	[tilespmem:s0], [sflag:$0x1] =	stream.indirect.gather [hbm4b:s5+s7], $0x10, s26, s7, $0xb8;
	[tilespmem:$0x15400] =	vst v63  }
0x6c: {  	_ =	swait.ge [sflag:s6], $0x800  }
0x6d: {  	s10 =	rddreg [dreg:$0x19];
	[sflag:s6] =	ssyncset.done $0x0  }
0x6e: {  	s11 =	rddreg [dreg:$0x1a];
	[sflag:s6] =	ssyncadd.s32 $0xFFFFF800  }
0x6f: {  	[tilespmem:s11], [sflag:$0x1] =	stream.indirect.gather [hbm4b:s5+s7], $0x10, s10, s7, $0xb8;
	[tilespmem:$0x15400] =	vst v63  }
0x70: {  	_ =	swait.ge [sflag:s6], $0x800  }
0x71: {  	s12 =	rddreg [dreg:$0x1b];
	[sflag:s6] =	ssyncset.done $0x0  }
0x72: {  	s13 =	rddreg [dreg:$0x1c];
	[sflag:s6] =	ssyncadd.s32 $0xFFFFF800  }
0x73: {  	[tilespmem:s13], [sflag:$0x1] =	stream.indirect.gather [hbm4b:s5+s7], $0x10, s12, s7, $0xb8;
	[tilespmem:$0x15400] =	vst v63  }
0x74: {  	_ =	swait.ge [sflag:s6], $0x800  }
0x75: {  	s14 =	rddreg [dreg:$0x1d];
	[sflag:s6] =	ssyncset.done $0x0  }
0x76: {  	s15 =	rddreg [dreg:$0x1e];
	[sflag:s6] =	ssyncadd.s32 $0xFFFFF800  }
0x77: {  	[tilespmem:s15], [sflag:$0x1] =	stream.indirect.gather [hbm4b:s5+s7], $0x10, s14, s7, $0xb8;
	[tilespmem:$0x15400] =	vst v63  }
0x78: {  	_ =	swait.ge [sflag:s6], $0x800  }
0x79: {  	s17 =	sld [smem:$0x7E2]  }
0x7a: {  	[sflag:s6] =	ssyncset.done $0x0  }
0x7b: {  	s16 =	rddreg [dreg:$0x1f];
	[sflag:s6] =	ssyncadd.s32 $0xFFFFF800  }
0x7c: {  	[tilespmem:s17], [sflag:$0x1] =	stream.indirect.gather [hbm4b:s5+s7], $0x10, s16, s7, $0xb8;
	[tilespmem:$0x15400] =	vst v63  }
0x7d: {  	_ =	swait.ge [sflag:s6], $0x800  }
0x7e: {  	s18 =	sld [smem:$0x7E3]  }
0x7f: {  	s19 =	sld [smem:$0x7E4]  }
0x80: {  	[sflag:s6] =	ssyncset.done $0x0  }
0x81: {  	[sflag:s6] =	ssyncadd.s32 $0xFFFFF800  }
0x82: {  	[tilespmem:s19], [sflag:$0x1] =	stream.indirect.gather [hbm4b:s5+s7], $0x10, s18, s7, $0xb8;
	[tilespmem:$0x15400] =	vst v63  }
0x83: {  	_ =	swait.ge [sflag:s6], $0x800  }
0x84: {  	s20 =	sld [smem:$0x7E5]  }
0x85: {  	s21 =	sld [smem:$0x7E6]  }
0x86: {  	[sflag:s6] =	ssyncset.done $0x0  }
0x87: {  	[sflag:s6] =	ssyncadd.s32 $0xFFFFF800  }
0x88: {  	[tilespmem:s21], [sflag:$0x1] =	stream.indirect.gather [hbm4b:s5+s7], $0x10, s20, s7, $0xb8;
	[tilespmem:$0x15400] =	vst v63  }
0x89: {  	_ =	swait.ge [sflag:s6], $0x800  }
0x8a: {  	s22 =	sld [smem:$0x7E7]  }
0x8b: {  	s23 =	sld [smem:$0x7E8]  }
0x8c: {  	[sflag:s6] =	ssyncset.done $0x0  }
0x8d: {  	[sflag:s6] =	ssyncadd.s32 $0xFFFFF800  }
0x8e: {  	[tilespmem:s23], [sflag:$0x1] =	stream.indirect.gather [hbm4b:s5+s7], $0x10, s22, s7, $0xb8;
	[tilespmem:$0x15400] =	vst v63  }
0x8f: {  	_ =	swait.ge [sflag:s6], $0x800  }
0x90: {  	s24 =	sld [smem:$0x7E9]  }
0x91: {  	s25 =	sld [smem:$0x7EA]  }
0x92: {  	[sflag:s6] =	ssyncset.done $0x0  }
0x93: {  	[sflag:s6] =	ssyncadd.s32 $0xFFFFF800  }
0x94: {  	[tilespmem:s25], [sflag:$0x1] =	stream.indirect.gather [hbm4b:s5+s7], $0x10, s24, s7, $0xb8;
	[tilespmem:$0x15400] =	vst v63  }
0x95: {  	_ =	swait.ge [sflag:s6], $0x800  }
0x96: {  	s26 =	sld [smem:$0x7EB]  }
0x97: {  	s0 =	sld [smem:$0x7EC]  }
0x98: {  	[sflag:s6] =	ssyncset.done $0x0  }
0x99: {  	[sflag:s6] =	ssyncadd.s32 $0xFFFFF800  }
0x9a: {  	[tilespmem:s0], [sflag:$0x1] =	stream.indirect.gather [hbm4b:s5+s7], $0x10, s26, s7, $0xb8;
	[tilespmem:$0x15400] =	vst v63  }
0x9b: {  	_ =	swait.ge [sflag:s6], $0x800  }
0x9c: {  	s9 =	sld [smem:$0x7ED]  }
0x9d: {  	s10 =	sld [smem:$0x7EE]  }
0x9e: {  	[sflag:s6] =	ssyncset.done $0x0  }
0x9f: {  	[sflag:s6] =	ssyncadd.s32 $0xFFFFF800  }
0xa0: {  	[tilespmem:s10], [sflag:$0x1] =	stream.indirect.gather [hbm4b:s5+s7], $0x10, s9, s7, $0xb8;
	[tilespmem:$0x15400] =	vst v63  }
0xa1: {  	_ =	swait.ge [sflag:s6], $0x800  }
0xa2: {  	s11 =	sld [smem:$0x7EF]  }
0xa3: {  	s12 =	sld [smem:$0x7F0]  }
0xa4: {  	[sflag:s6] =	ssyncset.done $0x0  }
0xa5: {  	[sflag:s6] =	ssyncadd.s32 $0xFFFFF800  }
0xa6: {  	[tilespmem:s12], [sflag:$0x1] =	stream.indirect.gather [hbm4b:s5+s7], $0x10, s11, s7, $0xb8;
	[tilespmem:$0x15400] =	vst v63  }
0xa7: {  	_ =	swait.ge [sflag:s6], $0x800  }
0xa8: {  	s13 =	sld [smem:$0x7F1]  }
0xa9: {  	s14 =	sld [smem:$0x7F2]  }
0xaa: {  	[sflag:s6] =	ssyncset.done $0x0  }
0xab: {  	[sflag:s6] =	ssyncadd.s32 $0xFFFFF800  }
0xac: {  	[tilespmem:s14], [sflag:$0x1] =	stream.indirect.gather [hbm4b:s5+s7], $0x10, s13, s7, $0xb8;
	[tilespmem:$0x15400] =	vst v63  }
0xad: {  	_ =	swait.ge [sflag:s6], $0x800  }
0xae: {  	s15 =	sld [smem:$0x7F3]  }
0xaf: {  	s16 =	sld [smem:$0x7F4]  }
0xb0: {  	[sflag:s6] =	ssyncset.done $0x0  }
0xb1: {  	[sflag:s6] =	ssyncadd.s32 $0xFFFFF800  }
0xb2: {  	[tilespmem:s16], [sflag:$0x1] =	stream.indirect.gather [hbm4b:s5+s7], $0x10, s15, s7, $0xb8;
	[tilespmem:$0x15400] =	vst v63  }
0xb3: {  	_ =	swait.ge [sflag:s6], $0x800  }
0xb4: {  	s17 =	sld [smem:$0x7F5]  }
0xb5: {  	s18 =	sld [smem:$0x7F6]  }
0xb6: {  	[sflag:s6] =	ssyncset.done $0x0  }
0xb7: {  	[sflag:s6] =	ssyncadd.s32 $0xFFFFF800  }
0xb8: {  	[tilespmem:s18], [sflag:$0x1] =	stream.indirect.gather [hbm4b:s5+s7], $0x10, s17, s7, $0xb8;
	[tilespmem:$0x15400] =	vst v63  }
0xb9: {  	_ =	swait.ge [sflag:s6], $0x800  }
0xba: {  	s19 =	sld [smem:$0x7F7]  }
0xbb: {  	s20 =	sld [smem:$0x7F8]  }
0xbc: {  	[sflag:s6] =	ssyncset.done $0x0  }
0xbd: {  	[sflag:s6] =	ssyncadd.s32 $0xFFFFF800  }
0xbe: {  	[tilespmem:s20], [sflag:$0x1] =	stream.indirect.gather [hbm4b:s5+s7], $0x10, s19, s7, $0xb8;
	[tilespmem:$0x15400] =	vst v63  }
0xbf: {  	_ =	swait.ge [sflag:s6], $0x800  }
0xc0: {  	s21 =	sld [smem:$0x7F9]  }
0xc1: {  	s22 =	sld [smem:$0x7FA]  }
0xc2: {  	[sflag:s6] =	ssyncset.done $0x0  }
0xc3: {  	[sflag:s6] =	ssyncadd.s32 $0xFFFFF800  }
0xc4: {  	[tilespmem:s22], [sflag:$0x1] =	stream.indirect.gather [hbm4b:s5+s7], $0x10, s21, s7, $0xb8;
	[tilespmem:$0x15400] =	vst v63  }
0xc5: {  	_ =	swait.ge [sflag:s6], $0x800  }
0xc6: {  	s23 =	sld [smem:$0x7FB]  }
0xc7: {  	s24 =	sld [smem:$0x7FC]  }
0xc8: {  	[sflag:s6] =	ssyncset.done $0x0  }
0xc9: {  	[sflag:s6] =	ssyncadd.s32 $0xFFFFF800  }
0xca: {  	[tilespmem:s24], [sflag:$0x1] =	stream.indirect.gather [hbm4b:s5+s7], $0x10, s23, s7, $0xb8;
	[tilespmem:$0x15400] =	vst v63  }
0xcb: {  	_ =	swait.ge [sflag:s6], $0x800  }
0xcc: {  	s25 =	sld [smem:$0x7FD]  }
0xcd: {  	[sflag:s6] =	ssyncset.done $0x0  }
0xce: {  	s26 =	simm.s32 $0xF400;
	[sflag:s6] =	ssyncadd.s32 $0xFFFFF800  }
0xcf: {  	[tilespmem:s26], [sflag:$0x1] =	stream.indirect.gather [hbm4b:s5+s7], $0x10, s25, s7, $0xb8;
	[tilespmem:$0x15400] =	vst v63  }
0xd0: {  	_ =	swait.ge [sflag:s6], $0x800  }
0xd1: {  	[sflag:s6] =	ssyncset.done $0x0  }
0xd2: {  	s9 =	simm.s32 $0xE80;
	s10 =	simm.s32 $0xFC00;
	[sflag:s6] =	ssyncadd.s32 $0xFFFFF800  }
0xd3: {  	[tilespmem:s10], [sflag:$0x1] =	stream.indirect.gather [hbm4b:s5+s7], $0x10, s9, s7, $0xb8;
	[tilespmem:$0x15400] =	vst v63  }
0xd4: {  	_ =	swait.ge [sflag:s6], $0x800  }
0xd5: {  	[sflag:s6] =	ssyncset.done $0x0  }
0xd6: {  	s11 =	simm.s32 $0xF00;
	s12 =	simm.s32 $0x10400;
	[sflag:s6] =	ssyncadd.s32 $0xFFFFF800  }
0xd7: {  	[tilespmem:s12], [sflag:$0x1] =	stream.indirect.gather [hbm4b:s5+s7], $0x10, s11, s7, $0xb8;
	[tilespmem:$0x15400] =	vst v63  }
0xd8: {  	s29 =	simm.s32 $0x12400;
	_ =	swait.ge [sflag:s6], $0x800  }
0xd9: {  	s30 =	simm.s32 $0x1280;
	s31 =	simm.s32 $0x13C00;
	[sflag:s6] =	ssyncset.done $0x0  }
0xda: {  	s13 =	simm.s32 $0xF80;
	s14 =	simm.s32 $0x10C00;
	[sflag:s6] =	ssyncadd.s32 $0xFFFFF800  }
0xdb: {  	[tilespmem:s14], [sflag:$0x1] =	stream.indirect.gather [hbm4b:s5+s7], $0x10, s13, s7, $0xb8;
	[tilespmem:$0x15400] =	vst v63  }
0xdc: {  	s28 =	simm.s32 $0x14400;
	s1 =	ssub.s32 $0x2, s1;
	_ =	swait.ge [sflag:s6], $0x800  }
0xdd: {  	s15 =	simm.s32 $0x1000;
	s17 =	sshrl.u32 s1, $0x1;
	[sflag:s6] =	ssyncset.done $0x0  }
0xde: {  	s16 =	simm.s32 $0x11400;
	s1 =	ssub.s32 s1, s17;
	[sflag:s6] =	ssyncadd.s32 $0xFFFFF800  }
0xdf: {  	[tilespmem:s16], [sflag:$0x1] =	stream.indirect.gather [hbm4b:s5+s7], $0x10, s15, s7, $0xb8;
	[tilespmem:$0x15400] =	vst v63  }
0xe0: {  	s18 =	simm.s32 $0x11C00;
	s1 =	smax.u32 s1, $0x1;
	_ =	swait.ge [sflag:s6], $0x800  }
0xe1: {  	s17 =	simm.s32 $0x1080;
	p0 =	sne.s32 s1, $0x1;
	[sflag:s6] =	ssyncset.done $0x0  }
0xe2: {  	s1 =	sadd.s32 $0xFFFFFFFF, s1;
	s20 =	simm.s32 $0x1200;
	[sflag:s6] =	ssyncadd.s32 $0xFFFFF800  }
0xe3: {  	[tilespmem:s18], [sflag:$0x1] =	stream.indirect.gather [hbm4b:s5+s7], $0x10, s17, s7, $0xb8;
	[tilespmem:$0x15400] =	vst v63  }
.Ltmp0:
0xe4: {  	s19 =	simm.s32 $0x1380;
	_ =	swait.ge [sflag:s6], $0x800;
	(pc) =	sbr.rel @!p0 .LBB2_2-.Ltmp0, $4  }
0xe5: {  	s22 =	simm.s32 $0x1180;
	s21 =	simm.s32 $0x14C00;
	[sflag:s6] =	ssyncset.done $0x0  }
0xe6: {  	s23 =	simm.s32 $0x13400;
	s25 =	simm.s32 $0x1100;
	[sflag:s6] =	ssyncadd.s32 $0xFFFFF800  }
0xe7: {  	[tilespmem:s29], [sflag:$0x1] =	stream.indirect.gather [hbm4b:s5+s7], $0x10, s25, s7, $0xb8;
	[tilespmem:$0x15400] =	vst v63  }
0xe8: {  	s24 =	simm.s32 $0x1300;
	s26 =	simm.s32 $0x12C00;
	_ =	swait.ge [sflag:s6], $0x800  }
.LBB2_1:
0xe9: {  	[sflag:s6] =	ssyncset.done $0x0  }
0xea: {  	[sflag:s6] =	ssyncadd.s32 $0xFFFFF800  }
0xeb: {  	[tilespmem:s26], [sflag:$0x1] =	stream.indirect.gather [hbm4b:s5+s7], $0x10, s22, s7, $0xb8;
	[tilespmem:$0x15400] =	vst v63  }
0xec: {  	_ =	swait.ge [sflag:s6], $0x800  }
0xed: {  	[sflag:s6] =	ssyncset.done $0x0  }
0xee: {  	[sflag:s6] =	ssyncadd.s32 $0xFFFFF800  }
0xef: {  	[tilespmem:s23], [sflag:$0x1] =	stream.indirect.gather [hbm4b:s5+s7], $0x10, s20, s7, $0xb8;
	[tilespmem:$0x15400] =	vst v63  }
0xf0: {  	_ =	swait.ge [sflag:s6], $0x800  }
0xf1: {  	[sflag:s6] =	ssyncset.done $0x0  }
0xf2: {  	[sflag:s6] =	ssyncadd.s32 $0xFFFFF800  }
0xf3: {  	[tilespmem:s31], [sflag:$0x1] =	stream.indirect.gather [hbm4b:s5+s7], $0x10, s30, s7, $0xb8;
	[tilespmem:$0x15400] =	vst v63  }
0xf4: {  	_ =	swait.ge [sflag:s6], $0x800  }
0xf5: {  	[sflag:s6] =	ssyncset.done $0x0  }
0xf6: {  	[sflag:s6] =	ssyncadd.s32 $0xFFFFF800  }
0xf7: {  	[tilespmem:s28], [sflag:$0x1] =	stream.indirect.gather [hbm4b:s5+s7], $0x10, s24, s7, $0xb8;
	[tilespmem:$0x15400] =	vst v63  }
0xf8: {  	_ =	swait.ge [sflag:s6], $0x800  }
0xf9: {  	[sflag:s6] =	ssyncset.done $0x0  }
0xfa: {  	[sflag:s6] =	ssyncadd.s32 $0xFFFFF800  }
0xfb: {  	[tilespmem:s21], [sflag:$0x1] =	stream.indirect.gather [hbm4b:s5+s7], $0x10, s19, s7, $0xb8;
	[tilespmem:$0x15400] =	vst v63  }
0xfc: {  	_ =	swait.ge [sflag:s6], $0x800  }
0xfd: {  	[sflag:s6] =	ssyncset.done $0x0  }
0xfe: {  	s0 =	rddreg [dreg:$0x5];
	[sflag:s6] =	ssyncadd.s32 $0xFFFFF800  }
0xff: {  	[hbm4b:s0+s2] =	stream.linear.scatter [tilespmem:s4], [sflag:$0x2], $0x14000, $0x38;
	[tilespmem:$0x15400] =	vst v63  }
0x100: {  	_ =	swait.ge [sflag:s3], $0x14000  }
0x101: {  	[sflag:s3] =	ssyncset.done $0x0  }
0x102: {  	s8 =	rddreg [dreg:$0x4];
	[sflag:s3] =	ssyncadd.s32 $0xFFFEC000  }
0x103: {  	[tilespmem:s2], [sflag:$0x2] =	stream.linear.gather [hbm4b:s8+s2], $0x1400, $0x38;
	[tilespmem:$0x15400] =	vst v63  }
0x104: {  	_ =	swait.ge [sflag:s3], $0x1400  }
0x105: {  	[sflag:s3] =	ssyncset.done $0x0  }
0x106: {  	[sflag:s3] =	ssyncadd.s32 $0xFFFFEC00  }
0x107: {  	[tilespmem:s4], [sflag:$0x1] =	stream.indirect.gather [hbm4b:s5+s7], $0x10, s2, s7, $0xb8;
	[tilespmem:$0x15400] =	vst v63  }
0x108: {  	_ =	swait.ge [sflag:s6], $0x800  }
0x109: {  	[sflag:s6] =	ssyncset.done $0x0  }
0x10a: {  	s8 =	rddreg [dreg:$0x6];
	[sflag:s6] =	ssyncadd.s32 $0xFFFFF800  }
0x10b: {  	[tilespmem:s8], [sflag:$0x1] =	stream.indirect.gather [hbm4b:s5+s7], $0x10, s7, s7, $0xb8;
	[tilespmem:$0x15400] =	vst v63  }
0x10c: {  	_ =	swait.ge [sflag:s6], $0x800  }
0x10d: {  	s0 =	rddreg [dreg:$0x7];
	[sflag:s6] =	ssyncset.done $0x0  }
0x10e: {  	s8 =	rddreg [dreg:$0x8];
	[sflag:s6] =	ssyncadd.s32 $0xFFFFF800  }
0x10f: {  	[tilespmem:s8], [sflag:$0x1] =	stream.indirect.gather [hbm4b:s5+s7], $0x10, s0, s7, $0xb8;
	[tilespmem:$0x15400] =	vst v63  }
0x110: {  	_ =	swait.ge [sflag:s6], $0x800  }
0x111: {  	[sflag:s6] =	ssyncset.done $0x0;
	s0 =	rddreg [dreg:$0x9]  }
0x112: {  	s8 =	rddreg [dreg:$0xa];
	[sflag:s6] =	ssyncadd.s32 $0xFFFFF800  }
0x113: {  	[tilespmem:s8], [sflag:$0x1] =	stream.indirect.gather [hbm4b:s5+s7], $0x10, s0, s7, $0xb8;
	[tilespmem:$0x15400] =	vst v63  }
0x114: {  	_ =	swait.ge [sflag:s6], $0x800  }
0x115: {  	[sflag:s6] =	ssyncset.done $0x0;
	s0 =	rddreg [dreg:$0xb]  }
0x116: {  	s8 =	rddreg [dreg:$0xc];
	[sflag:s6] =	ssyncadd.s32 $0xFFFFF800  }
0x117: {  	[tilespmem:s8], [sflag:$0x1] =	stream.indirect.gather [hbm4b:s5+s7], $0x10, s0, s7, $0xb8;
	[tilespmem:$0x15400] =	vst v63  }
0x118: {  	_ =	swait.ge [sflag:s6], $0x800  }
0x119: {  	[sflag:s6] =	ssyncset.done $0x0;
	s0 =	rddreg [dreg:$0xd]  }
0x11a: {  	s8 =	rddreg [dreg:$0xe];
	[sflag:s6] =	ssyncadd.s32 $0xFFFFF800  }
0x11b: {  	[tilespmem:s8], [sflag:$0x1] =	stream.indirect.gather [hbm4b:s5+s7], $0x10, s0, s7, $0xb8;
	[tilespmem:$0x15400] =	vst v63  }
0x11c: {  	_ =	swait.ge [sflag:s6], $0x800  }
0x11d: {  	[sflag:s6] =	ssyncset.done $0x0;
	s0 =	rddreg [dreg:$0xf]  }
0x11e: {  	s8 =	rddreg [dreg:$0x10];
	[sflag:s6] =	ssyncadd.s32 $0xFFFFF800  }
0x11f: {  	[tilespmem:s8], [sflag:$0x1] =	stream.indirect.gather [hbm4b:s5+s7], $0x10, s0, s7, $0xb8;
	[tilespmem:$0x15400] =	vst v63  }
0x120: {  	_ =	swait.ge [sflag:s6], $0x800  }
0x121: {  	[sflag:s6] =	ssyncset.done $0x0;
	s0 =	rddreg [dreg:$0x11]  }
0x122: {  	s8 =	rddreg [dreg:$0x12];
	[sflag:s6] =	ssyncadd.s32 $0xFFFFF800  }
0x123: {  	[tilespmem:s8], [sflag:$0x1] =	stream.indirect.gather [hbm4b:s5+s7], $0x10, s0, s7, $0xb8;
	[tilespmem:$0x15400] =	vst v63  }
0x124: {  	_ =	swait.ge [sflag:s6], $0x800  }
0x125: {  	[sflag:s6] =	ssyncset.done $0x0;
	s0 =	rddreg [dreg:$0x13]  }
0x126: {  	s8 =	rddreg [dreg:$0x14];
	[sflag:s6] =	ssyncadd.s32 $0xFFFFF800  }
0x127: {  	[tilespmem:s8], [sflag:$0x1] =	stream.indirect.gather [hbm4b:s5+s7], $0x10, s0, s7, $0xb8;
	[tilespmem:$0x15400] =	vst v63  }
0x128: {  	_ =	swait.ge [sflag:s6], $0x800  }
0x129: {  	[sflag:s6] =	ssyncset.done $0x0;
	s0 =	rddreg [dreg:$0x15]  }
0x12a: {  	s8 =	rddreg [dreg:$0x16];
	[sflag:s6] =	ssyncadd.s32 $0xFFFFF800  }
0x12b: {  	[tilespmem:s8], [sflag:$0x1] =	stream.indirect.gather [hbm4b:s5+s7], $0x10, s0, s7, $0xb8;
	[tilespmem:$0x15400] =	vst v63  }
0x12c: {  	_ =	swait.ge [sflag:s6], $0x800  }
0x12d: {  	[sflag:s6] =	ssyncset.done $0x0;
	s0 =	rddreg [dreg:$0x17]  }
0x12e: {  	s8 =	rddreg [dreg:$0x18];
	[sflag:s6] =	ssyncadd.s32 $0xFFFFF800  }
0x12f: {  	[tilespmem:s8], [sflag:$0x1] =	stream.indirect.gather [hbm4b:s5+s7], $0x10, s0, s7, $0xb8;
	[tilespmem:$0x15400] =	vst v63  }
0x130: {  	_ =	swait.ge [sflag:s6], $0x800  }
0x131: {  	[sflag:s6] =	ssyncset.done $0x0;
	s0 =	rddreg [dreg:$0x19]  }
0x132: {  	s8 =	rddreg [dreg:$0x1a];
	[sflag:s6] =	ssyncadd.s32 $0xFFFFF800  }
0x133: {  	[tilespmem:s8], [sflag:$0x1] =	stream.indirect.gather [hbm4b:s5+s7], $0x10, s0, s7, $0xb8;
	[tilespmem:$0x15400] =	vst v63  }
0x134: {  	_ =	swait.ge [sflag:s6], $0x800  }
0x135: {  	[sflag:s6] =	ssyncset.done $0x0;
	s0 =	rddreg [dreg:$0x1b]  }
0x136: {  	s8 =	rddreg [dreg:$0x1c];
	[sflag:s6] =	ssyncadd.s32 $0xFFFFF800  }
0x137: {  	[tilespmem:s8], [sflag:$0x1] =	stream.indirect.gather [hbm4b:s5+s7], $0x10, s0, s7, $0xb8;
	[tilespmem:$0x15400] =	vst v63  }
0x138: {  	_ =	swait.ge [sflag:s6], $0x800  }
0x139: {  	[sflag:s6] =	ssyncset.done $0x0;
	s0 =	rddreg [dreg:$0x1d]  }
0x13a: {  	s8 =	rddreg [dreg:$0x1e];
	[sflag:s6] =	ssyncadd.s32 $0xFFFFF800  }
0x13b: {  	[tilespmem:s8], [sflag:$0x1] =	stream.indirect.gather [hbm4b:s5+s7], $0x10, s0, s7, $0xb8;
	[tilespmem:$0x15400] =	vst v63  }
0x13c: {  	_ =	swait.ge [sflag:s6], $0x800  }
0x13d: {  	s8 =	sld [smem:$0x7E2]  }
0x13e: {  	[sflag:s6] =	ssyncset.done $0x0  }
0x13f: {  	s0 =	rddreg [dreg:$0x1f];
	[sflag:s6] =	ssyncadd.s32 $0xFFFFF800  }
0x140: {  	[tilespmem:s8], [sflag:$0x1] =	stream.indirect.gather [hbm4b:s5+s7], $0x10, s0, s7, $0xb8;
	[tilespmem:$0x15400] =	vst v63  }
0x141: {  	_ =	swait.ge [sflag:s6], $0x800  }
0x142: {  	s0 =	sld [smem:$0x7E3]  }
0x143: {  	s8 =	sld [smem:$0x7E4]  }
0x144: {  	[sflag:s6] =	ssyncset.done $0x0  }
0x145: {  	[sflag:s6] =	ssyncadd.s32 $0xFFFFF800  }
0x146: {  	[tilespmem:s8], [sflag:$0x1] =	stream.indirect.gather [hbm4b:s5+s7], $0x10, s0, s7, $0xb8;
	[tilespmem:$0x15400] =	vst v63  }
0x147: {  	_ =	swait.ge [sflag:s6], $0x800  }
0x148: {  	s0 =	sld [smem:$0x7E5]  }
0x149: {  	s8 =	sld [smem:$0x7E6]  }
0x14a: {  	[sflag:s6] =	ssyncset.done $0x0  }
0x14b: {  	[sflag:s6] =	ssyncadd.s32 $0xFFFFF800  }
0x14c: {  	[tilespmem:s8], [sflag:$0x1] =	stream.indirect.gather [hbm4b:s5+s7], $0x10, s0, s7, $0xb8;
	[tilespmem:$0x15400] =	vst v63  }
0x14d: {  	_ =	swait.ge [sflag:s6], $0x800  }
0x14e: {  	s0 =	sld [smem:$0x7E7]  }
0x14f: {  	s8 =	sld [smem:$0x7E8]  }
0x150: {  	[sflag:s6] =	ssyncset.done $0x0  }
0x151: {  	[sflag:s6] =	ssyncadd.s32 $0xFFFFF800  }
0x152: {  	[tilespmem:s8], [sflag:$0x1] =	stream.indirect.gather [hbm4b:s5+s7], $0x10, s0, s7, $0xb8;
	[tilespmem:$0x15400] =	vst v63  }
0x153: {  	_ =	swait.ge [sflag:s6], $0x800  }
0x154: {  	s0 =	sld [smem:$0x7E9]  }
0x155: {  	s8 =	sld [smem:$0x7EA]  }
0x156: {  	[sflag:s6] =	ssyncset.done $0x0  }
0x157: {  	[sflag:s6] =	ssyncadd.s32 $0xFFFFF800  }
0x158: {  	[tilespmem:s8], [sflag:$0x1] =	stream.indirect.gather [hbm4b:s5+s7], $0x10, s0, s7, $0xb8;
	[tilespmem:$0x15400] =	vst v63  }
0x159: {  	_ =	swait.ge [sflag:s6], $0x800  }
0x15a: {  	s0 =	sld [smem:$0x7EB]  }
0x15b: {  	s8 =	sld [smem:$0x7EC]  }
0x15c: {  	[sflag:s6] =	ssyncset.done $0x0  }
0x15d: {  	[sflag:s6] =	ssyncadd.s32 $0xFFFFF800  }
0x15e: {  	[tilespmem:s8], [sflag:$0x1] =	stream.indirect.gather [hbm4b:s5+s7], $0x10, s0, s7, $0xb8;
	[tilespmem:$0x15400] =	vst v63  }
0x15f: {  	_ =	swait.ge [sflag:s6], $0x800  }
0x160: {  	s0 =	sld [smem:$0x7ED]  }
0x161: {  	s8 =	sld [smem:$0x7EE]  }
0x162: {  	[sflag:s6] =	ssyncset.done $0x0  }
0x163: {  	[sflag:s6] =	ssyncadd.s32 $0xFFFFF800  }
0x164: {  	[tilespmem:s8], [sflag:$0x1] =	stream.indirect.gather [hbm4b:s5+s7], $0x10, s0, s7, $0xb8;
	[tilespmem:$0x15400] =	vst v63  }
0x165: {  	_ =	swait.ge [sflag:s6], $0x800  }
0x166: {  	s0 =	sld [smem:$0x7EF]  }
0x167: {  	s8 =	sld [smem:$0x7F0]  }
0x168: {  	[sflag:s6] =	ssyncset.done $0x0  }
0x169: {  	[sflag:s6] =	ssyncadd.s32 $0xFFFFF800  }
0x16a: {  	[tilespmem:s8], [sflag:$0x1] =	stream.indirect.gather [hbm4b:s5+s7], $0x10, s0, s7, $0xb8;
	[tilespmem:$0x15400] =	vst v63  }
0x16b: {  	_ =	swait.ge [sflag:s6], $0x800  }
0x16c: {  	s0 =	sld [smem:$0x7F1]  }
0x16d: {  	s8 =	sld [smem:$0x7F2]  }
0x16e: {  	[sflag:s6] =	ssyncset.done $0x0  }
0x16f: {  	[sflag:s6] =	ssyncadd.s32 $0xFFFFF800  }
0x170: {  	[tilespmem:s8], [sflag:$0x1] =	stream.indirect.gather [hbm4b:s5+s7], $0x10, s0, s7, $0xb8;
	[tilespmem:$0x15400] =	vst v63  }
0x171: {  	_ =	swait.ge [sflag:s6], $0x800  }
0x172: {  	s0 =	sld [smem:$0x7F3]  }
0x173: {  	s8 =	sld [smem:$0x7F4]  }
0x174: {  	[sflag:s6] =	ssyncset.done $0x0  }
0x175: {  	[sflag:s6] =	ssyncadd.s32 $0xFFFFF800  }
0x176: {  	[tilespmem:s8], [sflag:$0x1] =	stream.indirect.gather [hbm4b:s5+s7], $0x10, s0, s7, $0xb8;
	[tilespmem:$0x15400] =	vst v63  }
0x177: {  	_ =	swait.ge [sflag:s6], $0x800  }
0x178: {  	s0 =	sld [smem:$0x7F5]  }
0x179: {  	s8 =	sld [smem:$0x7F6]  }
0x17a: {  	[sflag:s6] =	ssyncset.done $0x0  }
0x17b: {  	[sflag:s6] =	ssyncadd.s32 $0xFFFFF800  }
0x17c: {  	[tilespmem:s8], [sflag:$0x1] =	stream.indirect.gather [hbm4b:s5+s7], $0x10, s0, s7, $0xb8;
	[tilespmem:$0x15400] =	vst v63  }
0x17d: {  	_ =	swait.ge [sflag:s6], $0x800  }
0x17e: {  	s0 =	sld [smem:$0x7F7]  }
0x17f: {  	s8 =	sld [smem:$0x7F8]  }
0x180: {  	[sflag:s6] =	ssyncset.done $0x0  }
0x181: {  	[sflag:s6] =	ssyncadd.s32 $0xFFFFF800  }
0x182: {  	[tilespmem:s8], [sflag:$0x1] =	stream.indirect.gather [hbm4b:s5+s7], $0x10, s0, s7, $0xb8;
	[tilespmem:$0x15400] =	vst v63  }
0x183: {  	_ =	swait.ge [sflag:s6], $0x800  }
0x184: {  	s0 =	sld [smem:$0x7F9]  }
0x185: {  	s8 =	sld [smem:$0x7FA]  }
0x186: {  	[sflag:s6] =	ssyncset.done $0x0  }
0x187: {  	[sflag:s6] =	ssyncadd.s32 $0xFFFFF800  }
0x188: {  	[tilespmem:s8], [sflag:$0x1] =	stream.indirect.gather [hbm4b:s5+s7], $0x10, s0, s7, $0xb8;
	[tilespmem:$0x15400] =	vst v63  }
0x189: {  	_ =	swait.ge [sflag:s6], $0x800  }
0x18a: {  	s0 =	sld [smem:$0x7FB]  }
0x18b: {  	s8 =	sld [smem:$0x7FC]  }
0x18c: {  	[sflag:s6] =	ssyncset.done $0x0  }
0x18d: {  	[sflag:s6] =	ssyncadd.s32 $0xFFFFF800  }
0x18e: {  	[tilespmem:s8], [sflag:$0x1] =	stream.indirect.gather [hbm4b:s5+s7], $0x10, s0, s7, $0xb8;
	[tilespmem:$0x15400] =	vst v63  }
0x18f: {  	_ =	swait.ge [sflag:s6], $0x800  }
0x190: {  	s0 =	sld [smem:$0x7FD]  }
0x191: {  	[sflag:s6] =	ssyncset.done $0x0  }
0x192: {  	s8 =	simm.s32 $0xF400;
	[sflag:s6] =	ssyncadd.s32 $0xFFFFF800  }
0x193: {  	[tilespmem:s8], [sflag:$0x1] =	stream.indirect.gather [hbm4b:s5+s7], $0x10, s0, s7, $0xb8;
	[tilespmem:$0x15400] =	vst v63  }
0x194: {  	_ =	swait.ge [sflag:s6], $0x800  }
0x195: {  	[sflag:s6] =	ssyncset.done $0x0  }
0x196: {  	[sflag:s6] =	ssyncadd.s32 $0xFFFFF800  }
0x197: {  	[tilespmem:s10], [sflag:$0x1] =	stream.indirect.gather [hbm4b:s5+s7], $0x10, s9, s7, $0xb8;
	[tilespmem:$0x15400] =	vst v63  }
0x198: {  	_ =	swait.ge [sflag:s6], $0x800  }
0x199: {  	[sflag:s6] =	ssyncset.done $0x0  }
0x19a: {  	[sflag:s6] =	ssyncadd.s32 $0xFFFFF800  }
0x19b: {  	[tilespmem:s12], [sflag:$0x1] =	stream.indirect.gather [hbm4b:s5+s7], $0x10, s11, s7, $0xb8;
	[tilespmem:$0x15400] =	vst v63  }
0x19c: {  	_ =	swait.ge [sflag:s6], $0x800  }
0x19d: {  	[sflag:s6] =	ssyncset.done $0x0  }
0x19e: {  	[sflag:s6] =	ssyncadd.s32 $0xFFFFF800  }
0x19f: {  	[tilespmem:s14], [sflag:$0x1] =	stream.indirect.gather [hbm4b:s5+s7], $0x10, s13, s7, $0xb8;
	[tilespmem:$0x15400] =	vst v63  }
0x1a0: {  	_ =	swait.ge [sflag:s6], $0x800  }
0x1a1: {  	[sflag:s6] =	ssyncset.done $0x0  }
0x1a2: {  	[sflag:s6] =	ssyncadd.s32 $0xFFFFF800  }
0x1a3: {  	[tilespmem:s16], [sflag:$0x1] =	stream.indirect.gather [hbm4b:s5+s7], $0x10, s15, s7, $0xb8;
	[tilespmem:$0x15400] =	vst v63  }
0x1a4: {  	_ =	swait.ge [sflag:s6], $0x800  }
0x1a5: {  	[sflag:s6] =	ssyncset.done $0x0  }
0x1a6: {  	p0 =	sne.s32 s1, $0x1;
	[sflag:s6] =	ssyncadd.s32 $0xFFFFF800  }
0x1a7: {  	[tilespmem:s18], [sflag:$0x1] =	stream.indirect.gather [hbm4b:s5+s7], $0x10, s17, s7, $0xb8;
	[tilespmem:$0x15400] =	vst v63  }
.Ltmp1:
0x1a8: {  	_ =	swait.ge [sflag:s6], $0x800;
	(pc) =	sbr.rel @p0 .LBB2_1-.Ltmp1, $4  }
0x1a9: {  	[sflag:s6] =	ssyncset.done $0x0  }
0x1aa: {  	[sflag:s6] =	ssyncadd.s32 $0xFFFFF800  }
0x1ab: {  	[tilespmem:s29], [sflag:$0x1] =	stream.indirect.gather [hbm4b:s5+s7], $0x10, s25, s7, $0xb8;
	[tilespmem:$0x15400] =	vst v63  }
0x1ac: {  	s1 =	sadd.s32 $0xFFFFFFFF, s1;
	_ =	swait.ge [sflag:s6], $0x800  }
.LBB2_2:
0x1ad: {  	[sflag:s6] =	ssyncset.done $0x0  }
0x1ae: {  	[sflag:s6] =	ssyncadd.s32 $0xFFFFF800  }
0x1af: {  	[tilespmem:s26], [sflag:$0x1] =	stream.indirect.gather [hbm4b:s5+s7], $0x10, s22, s7, $0xb8;
	[tilespmem:$0x15400] =	vst v63  }
0x1b0: {  	_ =	swait.ge [sflag:s6], $0x800  }
0x1b1: {  	[sflag:s6] =	ssyncset.done $0x0  }
0x1b2: {  	[sflag:s6] =	ssyncadd.s32 $0xFFFFF800  }
0x1b3: {  	[tilespmem:s23], [sflag:$0x1] =	stream.indirect.gather [hbm4b:s5+s7], $0x10, s20, s7, $0xb8;
	[tilespmem:$0x15400] =	vst v63  }
0x1b4: {  	_ =	swait.ge [sflag:s6], $0x800  }
0x1b5: {  	[sflag:s6] =	ssyncset.done $0x0  }
0x1b6: {  	[sflag:s6] =	ssyncadd.s32 $0xFFFFF800  }
0x1b7: {  	[tilespmem:s31], [sflag:$0x1] =	stream.indirect.gather [hbm4b:s5+s7], $0x10, s30, s7, $0xb8;
	[tilespmem:$0x15400] =	vst v63  }
0x1b8: {  	_ =	swait.ge [sflag:s6], $0x800  }
0x1b9: {  	[sflag:s6] =	ssyncset.done $0x0  }
0x1ba: {  	[sflag:s6] =	ssyncadd.s32 $0xFFFFF800  }
0x1bb: {  	[tilespmem:s28], [sflag:$0x1] =	stream.indirect.gather [hbm4b:s5+s7], $0x10, s24, s7, $0xb8;
	[tilespmem:$0x15400] =	vst v63  }
0x1bc: {  	_ =	swait.ge [sflag:s6], $0x800  }
0x1bd: {  	[sflag:s6] =	ssyncset.done $0x0  }
0x1be: {  	[sflag:s6] =	ssyncadd.s32 $0xFFFFF800  }
0x1bf: {  	[tilespmem:s21], [sflag:$0x1] =	stream.indirect.gather [hbm4b:s5+s7], $0x10, s19, s7, $0xb8;
	[tilespmem:$0x15400] =	vst v63  }
0x1c0: {  	_ =	swait.ge [sflag:s6], $0x800  }
0x1c1: {  	[sflag:s6] =	ssyncset.done $0x0  }
0x1c2: {  	s0 =	rddreg [dreg:$0x5];
	[sflag:s6] =	ssyncadd.s32 $0xFFFFF800  }
0x1c3: {  	[hbm4b:s0+s2] =	stream.linear.scatter [tilespmem:s4], [sflag:$0x2], $0x14000, $0x38;
	[tilespmem:$0x15400] =	vst v63  }
0x1c4: {  	_ =	swait.ge [sflag:s3], $0x14000  }
0x1c5: {  	[sflag:s3] =	ssyncset.done $0x0  }
0x1c6: {  	[sflag:s3] =	ssyncadd.s32 $0xFFFEC000  }
0x1c7: {  	_ =	sfence.sel $0x180000  }
0x1c8: {  	[bflag:$0x0] =	sbarrier.arrive $0xFFFF  }
0x1c9: {  	_ =	strace $0x90000047  }
0x1ca: {  	s31 =	stileid.u32;
	[bflag:$0x2] =	sbarrier.arrive $0xFFFF  }
0x1cb: {  	p0 =	sne.s32 s31, $0x0;
	s0 =	rddreg [dreg:$0x3]  }
0x1cc: {  	s0 =	sadd.s32 @!p0 $0x100000, s0  }
0x1cd: {  	[sflag:s0] =	ssyncadd.tile.s32 @!p0 $0x1;
	_ =	shalt  }
.Lfunc_end2:
_tile_overlayer_lowered:
.L_overlay_start_2:
0x1ce: {  	(tag) =	ssettag $0x2  }
0x1cf: {  	s0 =	rddreg [dreg:$0x0];
	s2 =	stileid.u32  }
0x1d0: {  	s1 =	rddreg [dreg:$0x1];
	p0 =	sne.s32 s2, $0x0  }
0x1d1: {  	s3 =	rddreg [dreg:$0x2];
	[bflag:$0x3] =	sbarrier.arrive $0xFFFF;
	s2 =	simm.s32 @!p0 $0x1C02  }
0x1d2: {  	[timem:s3], [sflag:s2] =	dma.local @!p0 [hbm:s0], s1  }
0x1d3: {  	s0 =	simm.s32 @!p0 $0x2  }
0x1d4: {  	_ =	swait.ge @!p0 [sflag:s0], s1  }
0x1d5: {  	s1 =	ssub.s32 @!p0 $0x0, s1;
	[sflag:s0] =	ssyncset.done @!p0 $0x0  }
0x1d6: {  	[sflag:s0] =	ssyncadd.s32 @!p0 s1  }
0x1d7: {  	[bflag:$0x3] =	sbarrier.arrive $0xFFFF  }
0x1d8: {  	_ =	shalt  }

</sc_bundles>
